<compile_context>
chip_gen: v7x
topology: tpu7x:2x2x1
jax: 0.10.2.dev20260603
libtpu: 0.0.44.dev20260713+nightly
codegen_flags: <defaults>
</compile_context>

<pallas_src>
import functools

import jax
import jax.numpy as jnp
from jax import lax
from jax.experimental import pallas as pl
from jax.experimental.pallas import tpu as pltpu
from jax.experimental.pallas import tpu_sc as plsc

T, D, E, K, H = 2048, 1024, 8, 2, 4096
BM = 128
HTILE = 512
HT = H // HTILE
P = K * T + E * BM
NB = P // BM
NC, NS = 2, 16
NW = NC * NS
ROWS_G = P // NW
CH = 64
TW = T // NW
CT = 16


def _router(xf, Wg):
    gate_logits = xf @ Wg.T
    gate_probs = jax.nn.softmax(gate_logits, axis=-1)
    rw, ei = lax.top_k(gate_probs, K)
    rw = rw / rw.sum(axis=-1, keepdims=True)
    return gate_probs, rw, ei


def _dispatch(rw, ei):
    ee = ei.reshape(-1)
    onehot = (ee[:, None] == jnp.arange(E, dtype=ee.dtype)[None, :])
    oh = onehot.astype(jnp.int32)
    incl = jnp.cumsum(oh, axis=0)
    rank = jnp.sum(incl * oh, axis=1) - 1
    counts = incl[-1]
    padded = ((counts + BM - 1) // BM) * BM
    ends = jnp.cumsum(padded)
    starts = ends - padded
    starts_ee = jnp.sum(oh * starts[None, :], axis=1)
    posf = (starts_ee + rank).astype(jnp.int32)
    total = ends[-1]
    bstart = jnp.arange(NB, dtype=jnp.int32) * BM
    act = (bstart < total).astype(jnp.int32)
    ebf = jnp.sum(bstart[:, None] >= ends[None, :], axis=1).astype(jnp.int32)
    eb_last = jnp.max(jnp.where(act == 1, ebf, -1))
    eb = jnp.where(act == 1, ebf, eb_last).astype(jnp.int32)
    prev_eb = jnp.concatenate([eb[:1] - 1, eb[:-1]])
    chg = (act * (eb != prev_eb)).astype(jnp.int32)
    rid = jnp.cumsum(chg) - 1
    par = (rid % 2).astype(jnp.int32)
    bidx = jnp.arange(NB, dtype=jnp.int32)
    posns = jnp.where(chg == 1, bidx, 2 * NB)
    sufmin = lax.associative_scan(jnp.minimum, posns[::-1])[::-1]
    nxt_pos = jnp.concatenate([sufmin[1:], jnp.full((1,), 2 * NB, jnp.int32)])
    hasnxt = (chg * (nxt_pos < NB)).astype(jnp.int32)
    nxt = jnp.sum((nxt_pos[:, None] == bidx[None, :]) * eb[None, :],
                  axis=1).astype(jnp.int32)
    pos0 = posf[0::2]
    pos1 = posf[1::2]
    return eb, act, chg, par, hasnxt, nxt, pos0, pos1, counts


def _mlp_body(eb_ref, act_ref, chg_ref, par_ref, hasnxt_ref, nxt_ref,
              x_ref, wfc_hbm, wpr_hbm, o_ref, h_ref, wfc_v, wp_v, sfc, spr):
    b = pl.program_id(0)

    @pl.when(b == 0)
    def _():
        pltpu.make_async_copy(wfc_hbm.at[eb_ref[0]], wfc_v.at[0], sfc).start()

    @pl.when(chg_ref[b] == 1)
    def _():
        pltpu.make_async_copy(wfc_hbm.at[eb_ref[b]],
                              wfc_v.at[par_ref[b]], sfc).wait()
        pltpu.make_async_copy(wpr_hbm.at[eb_ref[b]], wp_v, spr).start()

    @pl.when(hasnxt_ref[b] == 1)
    def _():
        pltpu.make_async_copy(wfc_hbm.at[nxt_ref[b]],
                              wfc_v.at[1 - par_ref[b]], sfc).start()

    @pl.when(act_ref[b] == 1)
    def _():
        x = x_ref[...]
        p = par_ref[b]
        for t in range(HT):
            h = lax.dot_general(x, wfc_v[p, pl.ds(t * HTILE, HTILE), :],
                                (((1,), (1,)), ((), ())),
                                preferred_element_type=jnp.float32)
            h_ref[:, pl.ds(t * HTILE, HTILE)] = jnp.square(jnp.maximum(h, 0.0))

        @pl.when(chg_ref[b] == 1)
        def _():
            pltpu.make_async_copy(wpr_hbm.at[eb_ref[b]], wp_v, spr).wait()

        o_ref[...] = lax.dot_general(h_ref[...], wp_v[...],
                                     (((1,), (1,)), ((), ())),
                                     preferred_element_type=jnp.float32)


def _mlp_call(eb, act, chg, par, hasnxt, nxt, xs, Wfc, Wproj, interpret=False):
    idx = lambda b, *refs: (b, 0)
    return pl.pallas_call(
        _mlp_body,
        grid_spec=pltpu.PrefetchScalarGridSpec(
            num_scalar_prefetch=6,
            grid=(NB,),
            in_specs=[
                pl.BlockSpec((BM, D), idx),
                pl.BlockSpec(memory_space=pl.ANY),
                pl.BlockSpec(memory_space=pl.ANY),
            ],
            out_specs=pl.BlockSpec((BM, D), idx),
            scratch_shapes=[
                pltpu.VMEM((BM, H), jnp.float32),
                pltpu.VMEM((2, H, D), jnp.float32),
                pltpu.VMEM((D, H), jnp.float32),
                pltpu.SemaphoreType.DMA,
                pltpu.SemaphoreType.DMA,
            ],
        ),
        out_shape=jax.ShapeDtypeStruct((P, D), jnp.float32),
        compiler_params=pltpu.CompilerParams(
            vmem_limit_bytes=62 * 1024 * 1024),
        interpret=interpret,
    )(eb, act, chg, par, hasnxt, nxt, xs, Wfc, Wproj)


def _sc_dispatch_call(pos0, pos1, xf):
    mesh = plsc.VectorSubcoreMesh(core_axis_name="c", subcore_axis_name="s")

    @functools.partial(
        pl.kernel,
        mesh=mesh,
        out_type=jax.ShapeDtypeStruct((P, D), jnp.float32),
        scratch_types=[
            pltpu.VMEM((TW,), jnp.int32),
            pltpu.VMEM((TW,), jnp.int32),
            pltpu.VMEM((TW, D), jnp.float32),
            pltpu.SemaphoreType.DMA,
            pltpu.SemaphoreType.DMA,
        ],
    )
    def k(p0_hbm, p1_hbm, x_hbm, out_hbm, p0_v, p1_v, rows_v, s0, s1):
        wid = lax.axis_index("s") * NC + lax.axis_index("c")
        tb = wid * TW
        pltpu.sync_copy(p0_hbm.at[pl.ds(tb, TW)], p0_v)
        pltpu.sync_copy(p1_hbm.at[pl.ds(tb, TW)], p1_v)
        pltpu.sync_copy(x_hbm.at[pl.ds(tb, TW)], rows_v)
        c0 = pltpu.async_copy(rows_v, out_hbm.at[p0_v], s0)
        c1 = pltpu.async_copy(rows_v, out_hbm.at[p1_v], s1)
        c0.wait()
        c1.wait()

    return k(pos0, pos1, xf)


def _sc_combine_call(pos0, pos1, w0, w1, ys):
    mesh = plsc.VectorSubcoreMesh(core_axis_name="c", subcore_axis_name="s")

    @functools.partial(
        pl.kernel,
        mesh=mesh,
        out_type=jax.ShapeDtypeStruct((T, D), jnp.float32),
        scratch_types=[
            pltpu.VMEM((TW,), jnp.int32),
            pltpu.VMEM((TW,), jnp.int32),
            pltpu.VMEM((TW, 16), jnp.float32),
            pltpu.VMEM((TW, 16), jnp.float32),
            pltpu.VMEM((2, CT, D), jnp.float32),
            pltpu.VMEM((2, CT, D), jnp.float32),
            pltpu.SemaphoreType.DMA((2,)),
            pltpu.SemaphoreType.DMA((2,)),
        ],
    )
    def k(p0_hbm, p1_hbm, w0_hbm, w1_hbm, ys_hbm, out_hbm,
          p0_v, p1_v, w0_v, w1_v, a_v, b_v, sg, so):
        wid = lax.axis_index("s") * NC + lax.axis_index("c")
        base = wid * TW
        nch = TW // CT
        pltpu.sync_copy(p0_hbm.at[pl.ds(base, TW)], p0_v)
        pltpu.sync_copy(p1_hbm.at[pl.ds(base, TW)], p1_v)
        pltpu.sync_copy(w0_hbm.at[pl.ds(base, TW)], w0_v)
        pltpu.sync_copy(w1_hbm.at[pl.ds(base, TW)], w1_v)

        def gathers(c):
            ping = c % 2
            ca = pltpu.make_async_copy(
                ys_hbm.at[p0_v.at[pl.ds(c * CT, CT)]], a_v.at[ping],
                sg.at[ping])
            cb = pltpu.make_async_copy(
                ys_hbm.at[p1_v.at[pl.ds(c * CT, CT)]], b_v.at[ping],
                sg.at[ping])
            return ca, cb

        def out_copy(c):
            ping = c % 2
            return pltpu.make_async_copy(
                a_v.at[ping], out_hbm.at[pl.ds(base + c * CT, CT)],
                so.at[ping])

        ca, cb = gathers(0)
        ca.start()
        cb.start()
        for c in range(nch):
            ping = c % 2
            if c + 1 < nch:
                if c >= 1:
                    out_copy(c - 1).wait()
                ca, cb = gathers(c + 1)
                ca.start()
                cb.start()
            ca0, cb0 = gathers(c)
            ca0.wait()
            cb0.wait()

            def row(r, carry):
                wa = w0_v[c * CT + r]
                wb = w1_v[c * CT + r]

                def col(j, carry2):
                    sl = pl.ds(j * 16, 16)
                    a_v[ping, r, sl] = (wa * a_v[ping, r, sl]
                                        + wb * b_v[ping, r, sl])
                    return carry2
                return lax.fori_loop(0, D // 16, col, carry)

            lax.fori_loop(0, CT, row, 0)
            out_copy(c).start()
        out_copy(nch - 2).wait()
        out_copy(nch - 1).wait()

    return k(pos0, pos1, w0, w1, ys)


def kernel(x, Wg, Wfc, Wproj):
    Bv, Tv, Dv = x.shape
    xf = x.reshape(Tv * Bv, Dv)
    gate_probs, rw, ei = _router(xf, Wg)
    eb, act, chg, par, hasnxt, nxt, pos0, pos1, counts = _dispatch(rw, ei)
    xs = _sc_dispatch_call(pos0, pos1, xf)
    ys = _mlp_call(eb, act, chg, par, hasnxt, nxt, xs, Wfc, Wproj)
    w0b = jnp.broadcast_to(rw[:, :1], (T, 16))
    w1b = jnp.broadcast_to(rw[:, 1:], (T, 16))
    out = _sc_combine_call(pos0, pos1, w0b, w1b, ys)
    freq = counts.astype(jnp.float32) / T
    balance_loss = (gate_probs.mean(axis=0) * freq).sum() * E
    return out.reshape(Bv, Tv, Dv), balance_loss

# --- scband reference (transcript-rebuilt; emitter-appended) ---
"""Pipeline reference for scband-mo-e-68453188764066 (READ-ONLY COPY).

The authoritative reference and input builder live on the scoring server;
editing this copy changes nothing except your own understanding.
"""

import jax, jax.numpy as jnp
import numpy as np

B, T, D, E, K = 1, 2048, 1024, 8, 2


def setup_inputs(seed: int = 0) -> dict:
    key = jax.random.key(seed)
    ks = jax.random.split(key, 4)
    x = jax.random.normal(ks[0], (B, T, D), dtype=jnp.float32)
    Wg = jax.random.normal(ks[1], (E, D), dtype=jnp.float32) * (D ** -0.5)
    Wfc = jax.random.normal(ks[2], (E, 4 * D, D), dtype=jnp.float32) * (D ** -0.5)
    Wproj = jax.random.normal(ks[3], (E, D, 4 * D), dtype=jnp.float32) * ((4 * D) ** -0.5)
    return {"x": x, "Wg": Wg, "Wfc": Wfc, "Wproj": Wproj}


def reference(x, Wg, Wfc, Wproj):
    Bv, Tv, Dv = x.shape
    xf = x.reshape(Bv * Tv, Dv)
    gate_logits = xf @ Wg.T
    gate_probs = jax.nn.softmax(gate_logits, axis=-1)
    routing_weights, expert_indices = jax.lax.top_k(gate_probs, K)
    routing_weights = routing_weights / routing_weights.sum(axis=-1, keepdims=True)
    out = jnp.zeros_like(xf)
    freq = []
    for idx in range(E):
        mask = (expert_indices == idx)
        sel = mask.any(axis=-1)
        w = jnp.where(mask, routing_weights, 0.0).sum(axis=-1)
        h = xf @ Wfc[idx].T
        h = jnp.square(jax.nn.relu(h))
        y = h @ Wproj[idx].T
        out = out + y * (w * sel.astype(xf.dtype))[:, None]
        freq.append(sel.astype(jnp.float32).mean())
    expert_freq = jax.lax.stop_gradient(jnp.stack(freq))
    balance_loss = (gate_probs.mean(axis=0) * expert_freq).sum() * E
    return out.reshape(Bv, Tv, Dv), balance_loss

if __name__ == "__main__":
    import jax
    _d = setup_inputs()
    print(jax.jit(kernel)(*tuple(_d.values())))

</pallas_src>

<mosaic_0001>
#map = affine_map<(d0, d1) -> (0)>
#map1 = affine_map<(d0, d1) -> (0, 0)>
module attributes {stable_mosaic.version = 14 : i64} {
  func.func @k(%arg0: i32, %arg1: i32, %arg2: memref<2048xi32, #tpu.memory_space<hbm>>, %arg3: memref<2048xi32, #tpu.memory_space<hbm>>, %arg4: memref<2048x16xf32, #tpu.memory_space<hbm>>, %arg5: memref<2048x16xf32, #tpu.memory_space<hbm>>, %arg6: memref<5120x1024xf32, #tpu.memory_space<hbm>>, %arg7: memref<2048x1024xf32, #tpu.memory_space<hbm>>, %arg8: memref<64xi32, #tpu.memory_space<vmem>>, %arg9: memref<64xi32, #tpu.memory_space<vmem>>, %arg10: memref<64x16xf32, #tpu.memory_space<vmem>>, %arg11: memref<64x16xf32, #tpu.memory_space<vmem>>, %arg12: memref<2x16x1024xf32, #tpu.memory_space<vmem>>, %arg13: memref<2x16x1024xf32, #tpu.memory_space<vmem>>, %arg14: memref<2x!tpu.dma_semaphore, #tpu.memory_space<semaphore_mem>>, %arg15: memref<2x!tpu.dma_semaphore, #tpu.memory_space<semaphore_mem>>) attributes {dimension_semantics = [#tpu.dimension_semantics<core_parallel>, #tpu.dimension_semantics<subcore_parallel>], iteration_bounds = array<i64: 2, 16>, scalar_prefetch = 0 : i64, scratch_operands = 8 : i64, tpu.core_type = #tpu.core_type<sc_vector_subcore>, window_params = [{transform_indices = #map}, {transform_indices = #map}, {transform_indices = #map1}, {transform_indices = #map1}, {transform_indices = #map1}, {transform_indices = #map1}]} {
    %mul3A = arith.constant 2 : i32
    %mul3A_0 = arith.muli %arg1, %mul3A : i32
    %add3A = arith.addi %mul3A_0, %arg0 : i32
    %mul3A_1 = arith.constant 64 : i32
    %mul3A_2 = arith.muli %add3A, %mul3A_1 : i32
    "tpu.region"() ({
      %run_scoped3A = tpu.sem_alloc : memref<!tpu.dma_semaphore, #tpu.memory_space<semaphore_mem>>
      %dma_start3A_376 = tpu.memref_slice %arg2[%mul3A_2] : memref<2048xi32, #tpu.memory_space<hbm>> -> memref<64xi32, #tpu.memory_space<hbm>>
      %dma_start3A_377 = tpu.memref_slice %arg2[%mul3A_2] : memref<2048xi32, #tpu.memory_space<hbm>> -> memref<64xi32, #tpu.memory_space<hbm>>
      tpu.enqueue_dma source(%dma_start3A_377 : memref<64xi32, #tpu.memory_space<hbm>>) target(%arg8 : memref<64xi32, #tpu.memory_space<vmem>>) target_semaphore(%run_scoped3A : memref<!tpu.dma_semaphore, #tpu.memory_space<semaphore_mem>>)
      %dma_wait3A_378 = tpu.memref_slice %arg2[%mul3A_2] : memref<2048xi32, #tpu.memory_space<hbm>> -> memref<64xi32, #tpu.memory_space<hbm>>
      %dma_wait3A_379 = tpu.memref_slice %arg2[%mul3A_2] : memref<2048xi32, #tpu.memory_space<hbm>> -> memref<64xi32, #tpu.memory_space<hbm>>
      tpu.wait_dma2 semaphore(%run_scoped3A : memref<!tpu.dma_semaphore, #tpu.memory_space<semaphore_mem>>) src(%dma_wait3A_379 : memref<64xi32, #tpu.memory_space<hbm>>) dst(%arg8 : memref<64xi32, #tpu.memory_space<vmem>>)
      tpu.yield
    }) : () -> ()
    "tpu.region"() ({
      %run_scoped3A = tpu.sem_alloc : memref<!tpu.dma_semaphore, #tpu.memory_space<semaphore_mem>>
      %dma_start3A_376 = tpu.memref_slice %arg3[%mul3A_2] : memref<2048xi32, #tpu.memory_space<hbm>> -> memref<64xi32, #tpu.memory_space<hbm>>
      %dma_start3A_377 = tpu.memref_slice %arg3[%mul3A_2] : memref<2048xi32, #tpu.memory_space<hbm>> -> memref<64xi32, #tpu.memory_space<hbm>>
      tpu.enqueue_dma source(%dma_start3A_377 : memref<64xi32, #tpu.memory_space<hbm>>) target(%arg9 : memref<64xi32, #tpu.memory_space<vmem>>) target_semaphore(%run_scoped3A : memref<!tpu.dma_semaphore, #tpu.memory_space<semaphore_mem>>)
      %dma_wait3A_378 = tpu.memref_slice %arg3[%mul3A_2] : memref<2048xi32, #tpu.memory_space<hbm>> -> memref<64xi32, #tpu.memory_space<hbm>>
      %dma_wait3A_379 = tpu.memref_slice %arg3[%mul3A_2] : memref<2048xi32, #tpu.memory_space<hbm>> -> memref<64xi32, #tpu.memory_space<hbm>>
      tpu.wait_dma2 semaphore(%run_scoped3A : memref<!tpu.dma_semaphore, #tpu.memory_space<semaphore_mem>>) src(%dma_wait3A_379 : memref<64xi32, #tpu.memory_space<hbm>>) dst(%arg9 : memref<64xi32, #tpu.memory_space<vmem>>)
      tpu.yield
    }) : () -> ()
    "tpu.region"() ({
      %run_scoped3A = tpu.sem_alloc : memref<!tpu.dma_semaphore, #tpu.memory_space<semaphore_mem>>
      %dma_start3A_376 = arith.constant 0 : i32
      %dma_start3A_377 = tpu.memref_slice %arg4[%mul3A_2, %dma_start3A_376] : memref<2048x16xf32, #tpu.memory_space<hbm>> -> memref<64x16xf32, #tpu.memory_space<hbm>>
      %dma_start3A_378 = arith.constant 0 : i32
      %dma_start3A_379 = tpu.memref_slice %arg4[%mul3A_2, %dma_start3A_378] : memref<2048x16xf32, #tpu.memory_space<hbm>> -> memref<64x16xf32, #tpu.memory_space<hbm>>
      tpu.enqueue_dma source(%dma_start3A_379 : memref<64x16xf32, #tpu.memory_space<hbm>>) target(%arg10 : memref<64x16xf32, #tpu.memory_space<vmem>>) target_semaphore(%run_scoped3A : memref<!tpu.dma_semaphore, #tpu.memory_space<semaphore_mem>>)
      %dma_wait3A_380 = arith.constant 0 : i32
      %dma_wait3A_381 = tpu.memref_slice %arg4[%mul3A_2, %dma_wait3A_380] : memref<2048x16xf32, #tpu.memory_space<hbm>> -> memref<64x16xf32, #tpu.memory_space<hbm>>
      %dma_wait3A_382 = arith.constant 0 : i32
      %dma_wait3A_383 = tpu.memref_slice %arg4[%mul3A_2, %dma_wait3A_382] : memref<2048x16xf32, #tpu.memory_space<hbm>> -> memref<64x16xf32, #tpu.memory_space<hbm>>
      tpu.wait_dma2 semaphore(%run_scoped3A : memref<!tpu.dma_semaphore, #tpu.memory_space<semaphore_mem>>) src(%dma_wait3A_383 : memref<64x16xf32, #tpu.memory_space<hbm>>) dst(%arg10 : memref<64x16xf32, #tpu.memory_space<vmem>>)
      tpu.yield
    }) : () -> ()
    "tpu.region"() ({
      %run_scoped3A = tpu.sem_alloc : memref<!tpu.dma_semaphore, #tpu.memory_space<semaphore_mem>>
      %dma_start3A_376 = arith.constant 0 : i32
      %dma_start3A_377 = tpu.memref_slice %arg5[%mul3A_2, %dma_start3A_376] : memref<2048x16xf32, #tpu.memory_space<hbm>> -> memref<64x16xf32, #tpu.memory_space<hbm>>
      %dma_start3A_378 = arith.constant 0 : i32
      %dma_start3A_379 = tpu.memref_slice %arg5[%mul3A_2, %dma_start3A_378] : memref<2048x16xf32, #tpu.memory_space<hbm>> -> memref<64x16xf32, #tpu.memory_space<hbm>>
      tpu.enqueue_dma source(%dma_start3A_379 : memref<64x16xf32, #tpu.memory_space<hbm>>) target(%arg11 : memref<64x16xf32, #tpu.memory_space<vmem>>) target_semaphore(%run_scoped3A : memref<!tpu.dma_semaphore, #tpu.memory_space<semaphore_mem>>)
      %dma_wait3A_380 = arith.constant 0 : i32
      %dma_wait3A_381 = tpu.memref_slice %arg5[%mul3A_2, %dma_wait3A_380] : memref<2048x16xf32, #tpu.memory_space<hbm>> -> memref<64x16xf32, #tpu.memory_space<hbm>>
      %dma_wait3A_382 = arith.constant 0 : i32
      %dma_wait3A_383 = tpu.memref_slice %arg5[%mul3A_2, %dma_wait3A_382] : memref<2048x16xf32, #tpu.memory_space<hbm>> -> memref<64x16xf32, #tpu.memory_space<hbm>>
      tpu.wait_dma2 semaphore(%run_scoped3A : memref<!tpu.dma_semaphore, #tpu.memory_space<semaphore_mem>>) src(%dma_wait3A_383 : memref<64x16xf32, #tpu.memory_space<hbm>>) dst(%arg11 : memref<64x16xf32, #tpu.memory_space<vmem>>)
      tpu.yield
    }) : () -> ()
    %dma_start3A = arith.constant 0 : i32
    %dma_start3A_3 = arith.constant 0 : i32
    %dma_start3A_4 = arith.constant 0 : i32
    %dma_start3A_5 = arith.constant 0 : i32
    %dma_start3A_6 = tpu.memref_slice %arg12[%dma_start3A, %dma_start3A_4, %dma_start3A_5] : memref<2x16x1024xf32, #tpu.memory_space<vmem>> -> memref<1x16x1024xf32, #tpu.memory_space<vmem>>
    %dma_start3A_7 = tpu.memref_squeeze %dma_start3A_6 : memref<1x16x1024xf32, #tpu.memory_space<vmem>> -> memref<16x1024xf32, #tpu.memory_space<vmem>>
    %dma_start3A_8 = arith.constant 0 : i32
    %dma_start3A_9 = tpu.memref_slice %arg8[%dma_start3A_8] : memref<64xi32, #tpu.memory_space<vmem>> -> memref<16xi32, #tpu.memory_space<vmem>>
    %dma_start3A_10 = arith.constant 0 : i32
    %dma_start3A_11 = arith.constant 0 : i32
    %dma_start3A_12 = tpu.memref_slice %arg6[%dma_start3A_10, %dma_start3A_11] : memref<5120x1024xf32, #tpu.memory_space<hbm>> -> memref<5120x1024xf32, #tpu.memory_space<hbm>>
    %dma_start3A_13 = tpu.memref_slice %arg14[%dma_start3A_3] : memref<2x!tpu.dma_semaphore, #tpu.memory_space<semaphore_mem>> -> memref<1x!tpu.dma_semaphore, #tpu.memory_space<semaphore_mem>>
    %dma_start3A_14 = tpu.memref_squeeze %dma_start3A_13 : memref<1x!tpu.dma_semaphore, #tpu.memory_space<semaphore_mem>> -> memref<!tpu.dma_semaphore, #tpu.memory_space<semaphore_mem>>
    tpu.enqueue_indirect_dma source(%dma_start3A_12 : memref<5120x1024xf32, #tpu.memory_space<hbm>>) target(%dma_start3A_7 : memref<16x1024xf32, #tpu.memory_space<vmem>>) offsets(%dma_start3A_9 : memref<16xi32, #tpu.memory_space<vmem>>) semaphore(%dma_start3A_14 : memref<!tpu.dma_semaphore, #tpu.memory_space<semaphore_mem>>)
    %dma_start3A_15 = arith.constant 0 : i32
    %dma_start3A_16 = arith.constant 0 : i32
    %dma_start3A_17 = arith.constant 0 : i32
    %dma_start3A_18 = arith.constant 0 : i32
    %dma_start3A_19 = tpu.memref_slice %arg13[%dma_start3A_15, %dma_start3A_17, %dma_start3A_18] : memref<2x16x1024xf32, #tpu.memory_space<vmem>> -> memref<1x16x1024xf32, #tpu.memory_space<vmem>>
    %dma_start3A_20 = tpu.memref_squeeze %dma_start3A_19 : memref<1x16x1024xf32, #tpu.memory_space<vmem>> -> memref<16x1024xf32, #tpu.memory_space<vmem>>
    %dma_start3A_21 = arith.constant 0 : i32
    %dma_start3A_22 = tpu.memref_slice %arg9[%dma_start3A_21] : memref<64xi32, #tpu.memory_space<vmem>> -> memref<16xi32, #tpu.memory_space<vmem>>
    %dma_start3A_23 = arith.constant 0 : i32
    %dma_start3A_24 = arith.constant 0 : i32
    %dma_start3A_25 = tpu.memref_slice %arg6[%dma_start3A_23, %dma_start3A_24] : memref<5120x1024xf32, #tpu.memory_space<hbm>> -> memref<5120x1024xf32, #tpu.memory_space<hbm>>
    %dma_start3A_26 = tpu.memref_slice %arg14[%dma_start3A_16] : memref<2x!tpu.dma_semaphore, #tpu.memory_space<semaphore_mem>> -> memref<1x!tpu.dma_semaphore, #tpu.memory_space<semaphore_mem>>
    %dma_start3A_27 = tpu.memref_squeeze %dma_start3A_26 : memref<1x!tpu.dma_semaphore, #tpu.memory_space<semaphore_mem>> -> memref<!tpu.dma_semaphore, #tpu.memory_space<semaphore_mem>>
    tpu.enqueue_indirect_dma source(%dma_start3A_25 : memref<5120x1024xf32, #tpu.memory_space<hbm>>) target(%dma_start3A_20 : memref<16x1024xf32, #tpu.memory_space<vmem>>) offsets(%dma_start3A_22 : memref<16xi32, #tpu.memory_space<vmem>>) semaphore(%dma_start3A_27 : memref<!tpu.dma_semaphore, #tpu.memory_space<semaphore_mem>>)
    %dma_start3A_28 = arith.constant 1 : i32
    %dma_start3A_29 = arith.constant 1 : i32
    %dma_start3A_30 = arith.constant 0 : i32
    %dma_start3A_31 = arith.constant 0 : i32
    %dma_start3A_32 = tpu.memref_slice %arg12[%dma_start3A_28, %dma_start3A_30, %dma_start3A_31] : memref<2x16x1024xf32, #tpu.memory_space<vmem>> -> memref<1x16x1024xf32, #tpu.memory_space<vmem>>
    %dma_start3A_33 = tpu.memref_squeeze %dma_start3A_32 : memref<1x16x1024xf32, #tpu.memory_space<vmem>> -> memref<16x1024xf32, #tpu.memory_space<vmem>>
    %dma_start3A_34 = arith.constant 16 : i32
    %dma_start3A_35 = tpu.memref_slice %arg8[%dma_start3A_34] : memref<64xi32, #tpu.memory_space<vmem>> -> memref<16xi32, #tpu.memory_space<vmem>>
    %dma_start3A_36 = arith.constant 0 : i32
    %dma_start3A_37 = arith.constant 0 : i32
    %dma_start3A_38 = tpu.memref_slice %arg6[%dma_start3A_36, %dma_start3A_37] : memref<5120x1024xf32, #tpu.memory_space<hbm>> -> memref<5120x1024xf32, #tpu.memory_space<hbm>>
    %dma_start3A_39 = tpu.memref_slice %arg14[%dma_start3A_29] : memref<2x!tpu.dma_semaphore, #tpu.memory_space<semaphore_mem>> -> memref<1x!tpu.dma_semaphore, #tpu.memory_space<semaphore_mem>>
    %dma_start3A_40 = tpu.memref_squeeze %dma_start3A_39 : memref<1x!tpu.dma_semaphore, #tpu.memory_space<semaphore_mem>> -> memref<!tpu.dma_semaphore, #tpu.memory_space<semaphore_mem>>
    tpu.enqueue_indirect_dma source(%dma_start3A_38 : memref<5120x1024xf32, #tpu.memory_space<hbm>>) target(%dma_start3A_33 : memref<16x1024xf32, #tpu.memory_space<vmem>>) offsets(%dma_start3A_35 : memref<16xi32, #tpu.memory_space<vmem>>) semaphore(%dma_start3A_40 : memref<!tpu.dma_semaphore, #tpu.memory_space<semaphore_mem>>)
    %dma_start3A_41 = arith.constant 1 : i32
    %dma_start3A_42 = arith.constant 1 : i32
    %dma_start3A_43 = arith.constant 0 : i32
    %dma_start3A_44 = arith.constant 0 : i32
    %dma_start3A_45 = tpu.memref_slice %arg13[%dma_start3A_41, %dma_start3A_43, %dma_start3A_44] : memref<2x16x1024xf32, #tpu.memory_space<vmem>> -> memref<1x16x1024xf32, #tpu.memory_space<vmem>>
    %dma_start3A_46 = tpu.memref_squeeze %dma_start3A_45 : memref<1x16x1024xf32, #tpu.memory_space<vmem>> -> memref<16x1024xf32, #tpu.memory_space<vmem>>
    %dma_start3A_47 = arith.constant 16 : i32
    %dma_start3A_48 = tpu.memref_slice %arg9[%dma_start3A_47] : memref<64xi32, #tpu.memory_space<vmem>> -> memref<16xi32, #tpu.memory_space<vmem>>
    %dma_start3A_49 = arith.constant 0 : i32
    %dma_start3A_50 = arith.constant 0 : i32
    %dma_start3A_51 = tpu.memref_slice %arg6[%dma_start3A_49, %dma_start3A_50] : memref<5120x1024xf32, #tpu.memory_space<hbm>> -> memref<5120x1024xf32, #tpu.memory_space<hbm>>
    %dma_start3A_52 = tpu.memref_slice %arg14[%dma_start3A_42] : memref<2x!tpu.dma_semaphore, #tpu.memory_space<semaphore_mem>> -> memref<1x!tpu.dma_semaphore, #tpu.memory_space<semaphore_mem>>
    %dma_start3A_53 = tpu.memref_squeeze %dma_start3A_52 : memref<1x!tpu.dma_semaphore, #tpu.memory_space<semaphore_mem>> -> memref<!tpu.dma_semaphore, #tpu.memory_space<semaphore_mem>>
    tpu.enqueue_indirect_dma source(%dma_start3A_51 : memref<5120x1024xf32, #tpu.memory_space<hbm>>) target(%dma_start3A_46 : memref<16x1024xf32, #tpu.memory_space<vmem>>) offsets(%dma_start3A_48 : memref<16xi32, #tpu.memory_space<vmem>>) semaphore(%dma_start3A_53 : memref<!tpu.dma_semaphore, #tpu.memory_space<semaphore_mem>>)
    %dma_wait3A = arith.constant 0 : i32
    %dma_wait3A_54 = arith.constant 0 : i32
    %dma_wait3A_55 = arith.constant 0 : i32
    %dma_wait3A_56 = arith.constant 0 : i32
    %dma_wait3A_57 = tpu.memref_slice %arg12[%dma_wait3A, %dma_wait3A_55, %dma_wait3A_56] : memref<2x16x1024xf32, #tpu.memory_space<vmem>> -> memref<1x16x1024xf32, #tpu.memory_space<vmem>>
    %dma_wait3A_58 = tpu.memref_squeeze %dma_wait3A_57 : memref<1x16x1024xf32, #tpu.memory_space<vmem>> -> memref<16x1024xf32, #tpu.memory_space<vmem>>
    %dma_wait3A_59 = arith.constant 0 : i32
    %dma_wait3A_60 = tpu.memref_slice %arg8[%dma_wait3A_59] : memref<64xi32, #tpu.memory_space<vmem>> -> memref<16xi32, #tpu.memory_space<vmem>>
    %dma_wait3A_61 = arith.constant 0 : i32
    %dma_wait3A_62 = arith.constant 0 : i32
    %dma_wait3A_63 = tpu.memref_slice %arg6[%dma_wait3A_61, %dma_wait3A_62] : memref<5120x1024xf32, #tpu.memory_space<hbm>> -> memref<5120x1024xf32, #tpu.memory_space<hbm>>
    %dma_wait3A_64 = tpu.memref_slice %arg14[%dma_wait3A_54] : memref<2x!tpu.dma_semaphore, #tpu.memory_space<semaphore_mem>> -> memref<1x!tpu.dma_semaphore, #tpu.memory_space<semaphore_mem>>
    %dma_wait3A_65 = tpu.memref_squeeze %dma_wait3A_64 : memref<1x!tpu.dma_semaphore, #tpu.memory_space<semaphore_mem>> -> memref<!tpu.dma_semaphore, #tpu.memory_space<semaphore_mem>>
    tpu.wait_indirect_dma semaphore(%dma_wait3A_65 : memref<!tpu.dma_semaphore, #tpu.memory_space<semaphore_mem>>) src(%dma_wait3A_63 : memref<5120x1024xf32, #tpu.memory_space<hbm>>) dst(%dma_wait3A_58 : memref<16x1024xf32, #tpu.memory_space<vmem>>)
    %dma_wait3A_66 = arith.constant 0 : i32
    %dma_wait3A_67 = arith.constant 0 : i32
    %dma_wait3A_68 = arith.constant 0 : i32
    %dma_wait3A_69 = arith.constant 0 : i32
    %dma_wait3A_70 = tpu.memref_slice %arg13[%dma_wait3A_66, %dma_wait3A_68, %dma_wait3A_69] : memref<2x16x1024xf32, #tpu.memory_space<vmem>> -> memref<1x16x1024xf32, #tpu.memory_space<vmem>>
    %dma_wait3A_71 = tpu.memref_squeeze %dma_wait3A_70 : memref<1x16x1024xf32, #tpu.memory_space<vmem>> -> memref<16x1024xf32, #tpu.memory_space<vmem>>
    %dma_wait3A_72 = arith.constant 0 : i32
    %dma_wait3A_73 = tpu.memref_slice %arg9[%dma_wait3A_72] : memref<64xi32, #tpu.memory_space<vmem>> -> memref<16xi32, #tpu.memory_space<vmem>>
    %dma_wait3A_74 = arith.constant 0 : i32
    %dma_wait3A_75 = arith.constant 0 : i32
    %dma_wait3A_76 = tpu.memref_slice %arg6[%dma_wait3A_74, %dma_wait3A_75] : memref<5120x1024xf32, #tpu.memory_space<hbm>> -> memref<5120x1024xf32, #tpu.memory_space<hbm>>
    %dma_wait3A_77 = tpu.memref_slice %arg14[%dma_wait3A_67] : memref<2x!tpu.dma_semaphore, #tpu.memory_space<semaphore_mem>> -> memref<1x!tpu.dma_semaphore, #tpu.memory_space<semaphore_mem>>
    %dma_wait3A_78 = tpu.memref_squeeze %dma_wait3A_77 : memref<1x!tpu.dma_semaphore, #tpu.memory_space<semaphore_mem>> -> memref<!tpu.dma_semaphore, #tpu.memory_space<semaphore_mem>>
    tpu.wait_indirect_dma semaphore(%dma_wait3A_78 : memref<!tpu.dma_semaphore, #tpu.memory_space<semaphore_mem>>) src(%dma_wait3A_76 : memref<5120x1024xf32, #tpu.memory_space<hbm>>) dst(%dma_wait3A_71 : memref<16x1024xf32, #tpu.memory_space<vmem>>)
    %scan3A = arith.constant 0 : i32
    %scan3A_79 = arith.constant 0 : i32
    %scan3A_80 = arith.constant 16 : i32
    %scan3A_81 = arith.addi %scan3A_79, %scan3A_80 : i32
    %scan3A_82 = arith.constant 1 : i32
    scf.for %scan3A_376 = %scan3A_79 to %scan3A_81 step %scan3A_82  : i32 {
      %add3A_377 = arith.constant 0 : i32
      %add3A_378 = arith.addi %add3A_377, %scan3A_376 : i32
      %get3A = arith.index_cast %add3A_378 : i32 to index
      %get3A_379 = arith.constant 0 : index
      %get3A_380 = tpu.vector_load %arg10[%get3A, %get3A_379] {strides = array<i32>} : memref<64x16xf32, #tpu.memory_space<vmem>>, vector<1x16xf32>,
      %get3A_381 = vector.shape_cast %get3A_380 : vector<1x16xf32> to vector<16xf32>
      %add3A_382 = arith.constant 0 : i32
      %add3A_383 = arith.addi %add3A_382, %scan3A_376 : i32
      %get3A_384 = arith.index_cast %add3A_383 : i32 to index
      %get3A_385 = arith.constant 0 : index
      %get3A_386 = tpu.vector_load %arg11[%get3A_384, %get3A_385] {strides = array<i32>} : memref<64x16xf32, #tpu.memory_space<vmem>>, vector<1x16xf32>,
      %get3A_387 = vector.shape_cast %get3A_386 : vector<1x16xf32> to vector<16xf32>
      %scan3A_388 = arith.constant 0 : i32
      %scan3A_389 = arith.constant 64 : i32
      %scan3A_390 = arith.addi %scan3A_388, %scan3A_389 : i32
      %scan3A_391 = arith.constant 1 : i32
      scf.for %scan3A_393 = %scan3A_388 to %scan3A_390 step %scan3A_391  : i32 {
        %mul3A_394 = arith.constant 16 : i32
        %mul3A_395 = arith.muli %scan3A_393, %mul3A_394 : i32
        %get3A_396 = arith.constant 0 : i32
        %get3A_397 = arith.index_cast %get3A_396 : i32 to index
        %get3A_398 = arith.index_cast %scan3A_376 : i32 to index
        %get3A_399 = arith.index_cast %mul3A_395 : i32 to index
        %get3A_400 = tpu.vector_load %arg12[%get3A_397, %get3A_398, %get3A_399] {strides = array<i32>} : memref<2x16x1024xf32, #tpu.memory_space<vmem>>, vector<1x1x16xf32>,
        %get3A_401 = vector.shape_cast %get3A_400 : vector<1x1x16xf32> to vector<16xf32>
        %mul3A_402 = arith.mulf %get3A_381, %get3A_401 : vector<16xf32>
        %get3A_403 = arith.constant 0 : i32
        %get3A_404 = arith.index_cast %get3A_403 : i32 to index
        %get3A_405 = arith.index_cast %scan3A_376 : i32 to index
        %get3A_406 = arith.index_cast %mul3A_395 : i32 to index
        %get3A_407 = tpu.vector_load %arg13[%get3A_404, %get3A_405, %get3A_406] {strides = array<i32>} : memref<2x16x1024xf32, #tpu.memory_space<vmem>>, vector<1x1x16xf32>,
        %get3A_408 = vector.shape_cast %get3A_407 : vector<1x1x16xf32> to vector<16xf32>
        %mul3A_409 = arith.mulf %get3A_387, %get3A_408 : vector<16xf32>
        %add3A_410 = arith.addf %mul3A_402, %mul3A_409 : vector<16xf32>
        %swap3A = arith.constant 0 : i32
        %swap3A_411 = arith.index_cast %swap3A : i32 to index
        %swap3A_412 = arith.index_cast %scan3A_376 : i32 to index
        %swap3A_413 = arith.index_cast %mul3A_395 : i32 to index
        %swap3A_414 = tpu.vector_load %arg12[%swap3A_411, %swap3A_412, %swap3A_413] {strides = array<i32>} : memref<2x16x1024xf32, #tpu.memory_space<vmem>>, vector<1x1x16xf32>,
        %swap3A_415 = vector.shape_cast %swap3A_414 : vector<1x1x16xf32> to vector<16xf32>
        %swap3A_416 = vector.shape_cast %add3A_410 : vector<16xf32> to vector<1x1x16xf32>
        tpu.vector_store %arg12[%swap3A_411, %swap3A_412, %swap3A_413], %swap3A_416 {strides = array<i32>} : memref<2x16x1024xf32, #tpu.memory_space<vmem>>, vector<1x1x16xf32>,
      }
      %scan3A_392 = arith.constant 64 : i32
    }
    %scan3A_83 = arith.constant 16 : i32
    %add3A_84 = arith.constant 0 : i32
    %add3A_85 = arith.addi %mul3A_2, %add3A_84 : i32
    %dma_start3A_86 = arith.constant 0 : i32
    %dma_start3A_87 = arith.constant 0 : i32
    %dma_start3A_88 = arith.constant 0 : i32
    %dma_start3A_89 = arith.constant 0 : i32
    %dma_start3A_90 = tpu.memref_slice %arg12[%dma_start3A_86, %dma_start3A_88, %dma_start3A_89] : memref<2x16x1024xf32, #tpu.memory_space<vmem>> -> memref<1x16x1024xf32, #tpu.memory_space<vmem>>
    %dma_start3A_91 = tpu.memref_squeeze %dma_start3A_90 : memref<1x16x1024xf32, #tpu.memory_space<vmem>> -> memref<16x1024xf32, #tpu.memory_space<vmem>>
    %dma_start3A_92 = arith.constant 0 : i32
    %dma_start3A_93 = tpu.memref_slice %arg7[%add3A_85, %dma_start3A_92] : memref<2048x1024xf32, #tpu.memory_space<hbm>> -> memref<16x1024xf32, #tpu.memory_space<hbm>>
    %dma_start3A_94 = tpu.memref_slice %arg15[%dma_start3A_87] : memref<2x!tpu.dma_semaphore, #tpu.memory_space<semaphore_mem>> -> memref<1x!tpu.dma_semaphore, #tpu.memory_space<semaphore_mem>>
    %dma_start3A_95 = tpu.memref_squeeze %dma_start3A_94 : memref<1x!tpu.dma_semaphore, #tpu.memory_space<semaphore_mem>> -> memref<!tpu.dma_semaphore, #tpu.memory_space<semaphore_mem>>
    %dma_start3A_96 = arith.constant 0 : i32
    %dma_start3A_97 = tpu.memref_slice %arg7[%add3A_85, %dma_start3A_96] : memref<2048x1024xf32, #tpu.memory_space<hbm>> -> memref<16x1024xf32, #tpu.memory_space<hbm>>
    %dma_start3A_98 = arith.constant 0 : i32
    %dma_start3A_99 = arith.constant 0 : i32
    %dma_start3A_100 = tpu.memref_slice %arg12[%dma_start3A_86, %dma_start3A_98, %dma_start3A_99] : memref<2x16x1024xf32, #tpu.memory_space<vmem>> -> memref<1x16x1024xf32, #tpu.memory_space<vmem>>
    %dma_start3A_101 = tpu.memref_squeeze %dma_start3A_100 : memref<1x16x1024xf32, #tpu.memory_space<vmem>> -> memref<16x1024xf32, #tpu.memory_space<vmem>>
    tpu.enqueue_dma source(%dma_start3A_101 : memref<16x1024xf32, #tpu.memory_space<vmem>>) target(%dma_start3A_97 : memref<16x1024xf32, #tpu.memory_space<hbm>>) target_semaphore(%dma_start3A_95 : memref<!tpu.dma_semaphore, #tpu.memory_space<semaphore_mem>>)
    %add3A_102 = arith.constant 0 : i32
    %add3A_103 = arith.addi %mul3A_2, %add3A_102 : i32
    %dma_wait3A_104 = arith.constant 0 : i32
    %dma_wait3A_105 = arith.constant 0 : i32
    %dma_wait3A_106 = arith.constant 0 : i32
    %dma_wait3A_107 = arith.constant 0 : i32
    %dma_wait3A_108 = tpu.memref_slice %arg12[%dma_wait3A_104, %dma_wait3A_106, %dma_wait3A_107] : memref<2x16x1024xf32, #tpu.memory_space<vmem>> -> memref<1x16x1024xf32, #tpu.memory_space<vmem>>
    %dma_wait3A_109 = tpu.memref_squeeze %dma_wait3A_108 : memref<1x16x1024xf32, #tpu.memory_space<vmem>> -> memref<16x1024xf32, #tpu.memory_space<vmem>>
    %dma_wait3A_110 = arith.constant 0 : i32
    %dma_wait3A_111 = tpu.memref_slice %arg7[%add3A_103, %dma_wait3A_110] : memref<2048x1024xf32, #tpu.memory_space<hbm>> -> memref<16x1024xf32, #tpu.memory_space<hbm>>
    %dma_wait3A_112 = tpu.memref_slice %arg15[%dma_wait3A_105] : memref<2x!tpu.dma_semaphore, #tpu.memory_space<semaphore_mem>> -> memref<1x!tpu.dma_semaphore, #tpu.memory_space<semaphore_mem>>
    %dma_wait3A_113 = tpu.memref_squeeze %dma_wait3A_112 : memref<1x!tpu.dma_semaphore, #tpu.memory_space<semaphore_mem>> -> memref<!tpu.dma_semaphore, #tpu.memory_space<semaphore_mem>>
    %dma_wait3A_114 = arith.constant 0 : i32
    %dma_wait3A_115 = tpu.memref_slice %arg7[%add3A_103, %dma_wait3A_114] : memref<2048x1024xf32, #tpu.memory_space<hbm>> -> memref<16x1024xf32, #tpu.memory_space<hbm>>
    %dma_wait3A_116 = arith.constant 0 : i32
    %dma_wait3A_117 = arith.constant 0 : i32
    %dma_wait3A_118 = tpu.memref_slice %arg12[%dma_wait3A_104, %dma_wait3A_116, %dma_wait3A_117] : memref<2x16x1024xf32, #tpu.memory_space<vmem>> -> memref<1x16x1024xf32, #tpu.memory_space<vmem>>
    %dma_wait3A_119 = tpu.memref_squeeze %dma_wait3A_118 : memref<1x16x1024xf32, #tpu.memory_space<vmem>> -> memref<16x1024xf32, #tpu.memory_space<vmem>>
    tpu.wait_dma2 semaphore(%dma_wait3A_113 : memref<!tpu.dma_semaphore, #tpu.memory_space<semaphore_mem>>) src(%dma_wait3A_119 : memref<16x1024xf32, #tpu.memory_space<vmem>>) dst(%dma_wait3A_115 : memref<16x1024xf32, #tpu.memory_space<hbm>>)
    %dma_start3A_120 = arith.constant 0 : i32
    %dma_start3A_121 = arith.constant 0 : i32
    %dma_start3A_122 = arith.constant 0 : i32
    %dma_start3A_123 = arith.constant 0 : i32
    %dma_start3A_124 = tpu.memref_slice %arg12[%dma_start3A_120, %dma_start3A_122, %dma_start3A_123] : memref<2x16x1024xf32, #tpu.memory_space<vmem>> -> memref<1x16x1024xf32, #tpu.memory_space<vmem>>
    %dma_start3A_125 = tpu.memref_squeeze %dma_start3A_124 : memref<1x16x1024xf32, #tpu.memory_space<vmem>> -> memref<16x1024xf32, #tpu.memory_space<vmem>>
    %dma_start3A_126 = arith.constant 32 : i32
    %dma_start3A_127 = tpu.memref_slice %arg8[%dma_start3A_126] : memref<64xi32, #tpu.memory_space<vmem>> -> memref<16xi32, #tpu.memory_space<vmem>>
    %dma_start3A_128 = arith.constant 0 : i32
    %dma_start3A_129 = arith.constant 0 : i32
    %dma_start3A_130 = tpu.memref_slice %arg6[%dma_start3A_128, %dma_start3A_129] : memref<5120x1024xf32, #tpu.memory_space<hbm>> -> memref<5120x1024xf32, #tpu.memory_space<hbm>>
    %dma_start3A_131 = tpu.memref_slice %arg14[%dma_start3A_121] : memref<2x!tpu.dma_semaphore, #tpu.memory_space<semaphore_mem>> -> memref<1x!tpu.dma_semaphore, #tpu.memory_space<semaphore_mem>>
    %dma_start3A_132 = tpu.memref_squeeze %dma_start3A_131 : memref<1x!tpu.dma_semaphore, #tpu.memory_space<semaphore_mem>> -> memref<!tpu.dma_semaphore, #tpu.memory_space<semaphore_mem>>
    tpu.enqueue_indirect_dma source(%dma_start3A_130 : memref<5120x1024xf32, #tpu.memory_space<hbm>>) target(%dma_start3A_125 : memref<16x1024xf32, #tpu.memory_space<vmem>>) offsets(%dma_start3A_127 : memref<16xi32, #tpu.memory_space<vmem>>) semaphore(%dma_start3A_132 : memref<!tpu.dma_semaphore, #tpu.memory_space<semaphore_mem>>)
    %dma_start3A_133 = arith.constant 0 : i32
    %dma_start3A_134 = arith.constant 0 : i32
    %dma_start3A_135 = arith.constant 0 : i32
    %dma_start3A_136 = arith.constant 0 : i32
    %dma_start3A_137 = tpu.memref_slice %arg13[%dma_start3A_133, %dma_start3A_135, %dma_start3A_136] : memref<2x16x1024xf32, #tpu.memory_space<vmem>> -> memref<1x16x1024xf32, #tpu.memory_space<vmem>>
    %dma_start3A_138 = tpu.memref_squeeze %dma_start3A_137 : memref<1x16x1024xf32, #tpu.memory_space<vmem>> -> memref<16x1024xf32, #tpu.memory_space<vmem>>
    %dma_start3A_139 = arith.constant 32 : i32
    %dma_start3A_140 = tpu.memref_slice %arg9[%dma_start3A_139] : memref<64xi32, #tpu.memory_space<vmem>> -> memref<16xi32, #tpu.memory_space<vmem>>
    %dma_start3A_141 = arith.constant 0 : i32
    %dma_start3A_142 = arith.constant 0 : i32
    %dma_start3A_143 = tpu.memref_slice %arg6[%dma_start3A_141, %dma_start3A_142] : memref<5120x1024xf32, #tpu.memory_space<hbm>> -> memref<5120x1024xf32, #tpu.memory_space<hbm>>
    %dma_start3A_144 = tpu.memref_slice %arg14[%dma_start3A_134] : memref<2x!tpu.dma_semaphore, #tpu.memory_space<semaphore_mem>> -> memref<1x!tpu.dma_semaphore, #tpu.memory_space<semaphore_mem>>
    %dma_start3A_145 = tpu.memref_squeeze %dma_start3A_144 : memref<1x!tpu.dma_semaphore, #tpu.memory_space<semaphore_mem>> -> memref<!tpu.dma_semaphore, #tpu.memory_space<semaphore_mem>>
    tpu.enqueue_indirect_dma source(%dma_start3A_143 : memref<5120x1024xf32, #tpu.memory_space<hbm>>) target(%dma_start3A_138 : memref<16x1024xf32, #tpu.memory_space<vmem>>) offsets(%dma_start3A_140 : memref<16xi32, #tpu.memory_space<vmem>>) semaphore(%dma_start3A_145 : memref<!tpu.dma_semaphore, #tpu.memory_space<semaphore_mem>>)
    %dma_wait3A_146 = arith.constant 1 : i32
    %dma_wait3A_147 = arith.constant 1 : i32
    %dma_wait3A_148 = arith.constant 0 : i32
    %dma_wait3A_149 = arith.constant 0 : i32
    %dma_wait3A_150 = tpu.memref_slice %arg12[%dma_wait3A_146, %dma_wait3A_148, %dma_wait3A_149] : memref<2x16x1024xf32, #tpu.memory_space<vmem>> -> memref<1x16x1024xf32, #tpu.memory_space<vmem>>
    %dma_wait3A_151 = tpu.memref_squeeze %dma_wait3A_150 : memref<1x16x1024xf32, #tpu.memory_space<vmem>> -> memref<16x1024xf32, #tpu.memory_space<vmem>>
    %dma_wait3A_152 = arith.constant 16 : i32
    %dma_wait3A_153 = tpu.memref_slice %arg8[%dma_wait3A_152] : memref<64xi32, #tpu.memory_space<vmem>> -> memref<16xi32, #tpu.memory_space<vmem>>
    %dma_wait3A_154 = arith.constant 0 : i32
    %dma_wait3A_155 = arith.constant 0 : i32
    %dma_wait3A_156 = tpu.memref_slice %arg6[%dma_wait3A_154, %dma_wait3A_155] : memref<5120x1024xf32, #tpu.memory_space<hbm>> -> memref<5120x1024xf32, #tpu.memory_space<hbm>>
    %dma_wait3A_157 = tpu.memref_slice %arg14[%dma_wait3A_147] : memref<2x!tpu.dma_semaphore, #tpu.memory_space<semaphore_mem>> -> memref<1x!tpu.dma_semaphore, #tpu.memory_space<semaphore_mem>>
    %dma_wait3A_158 = tpu.memref_squeeze %dma_wait3A_157 : memref<1x!tpu.dma_semaphore, #tpu.memory_space<semaphore_mem>> -> memref<!tpu.dma_semaphore, #tpu.memory_space<semaphore_mem>>
    tpu.wait_indirect_dma semaphore(%dma_wait3A_158 : memref<!tpu.dma_semaphore, #tpu.memory_space<semaphore_mem>>) src(%dma_wait3A_156 : memref<5120x1024xf32, #tpu.memory_space<hbm>>) dst(%dma_wait3A_151 : memref<16x1024xf32, #tpu.memory_space<vmem>>)
    %dma_wait3A_159 = arith.constant 1 : i32
    %dma_wait3A_160 = arith.constant 1 : i32
    %dma_wait3A_161 = arith.constant 0 : i32
    %dma_wait3A_162 = arith.constant 0 : i32
    %dma_wait3A_163 = tpu.memref_slice %arg13[%dma_wait3A_159, %dma_wait3A_161, %dma_wait3A_162] : memref<2x16x1024xf32, #tpu.memory_space<vmem>> -> memref<1x16x1024xf32, #tpu.memory_space<vmem>>
    %dma_wait3A_164 = tpu.memref_squeeze %dma_wait3A_163 : memref<1x16x1024xf32, #tpu.memory_space<vmem>> -> memref<16x1024xf32, #tpu.memory_space<vmem>>
    %dma_wait3A_165 = arith.constant 16 : i32
    %dma_wait3A_166 = tpu.memref_slice %arg9[%dma_wait3A_165] : memref<64xi32, #tpu.memory_space<vmem>> -> memref<16xi32, #tpu.memory_space<vmem>>
    %dma_wait3A_167 = arith.constant 0 : i32
    %dma_wait3A_168 = arith.constant 0 : i32
    %dma_wait3A_169 = tpu.memref_slice %arg6[%dma_wait3A_167, %dma_wait3A_168] : memref<5120x1024xf32, #tpu.memory_space<hbm>> -> memref<5120x1024xf32, #tpu.memory_space<hbm>>
    %dma_wait3A_170 = tpu.memref_slice %arg14[%dma_wait3A_160] : memref<2x!tpu.dma_semaphore, #tpu.memory_space<semaphore_mem>> -> memref<1x!tpu.dma_semaphore, #tpu.memory_space<semaphore_mem>>
    %dma_wait3A_171 = tpu.memref_squeeze %dma_wait3A_170 : memref<1x!tpu.dma_semaphore, #tpu.memory_space<semaphore_mem>> -> memref<!tpu.dma_semaphore, #tpu.memory_space<semaphore_mem>>
    tpu.wait_indirect_dma semaphore(%dma_wait3A_171 : memref<!tpu.dma_semaphore, #tpu.memory_space<semaphore_mem>>) src(%dma_wait3A_169 : memref<5120x1024xf32, #tpu.memory_space<hbm>>) dst(%dma_wait3A_164 : memref<16x1024xf32, #tpu.memory_space<vmem>>)
    %scan3A_172 = arith.constant 0 : i32
    %scan3A_173 = arith.constant 0 : i32
    %scan3A_174 = arith.constant 16 : i32
    %scan3A_175 = arith.addi %scan3A_173, %scan3A_174 : i32
    %scan3A_176 = arith.constant 1 : i32
    scf.for %scan3A_376 = %scan3A_173 to %scan3A_175 step %scan3A_176  : i32 {
      %add3A_377 = arith.constant 16 : i32
      %add3A_378 = arith.addi %add3A_377, %scan3A_376 : i32
      %get3A = arith.index_cast %add3A_378 : i32 to index
      %get3A_379 = arith.constant 0 : index
      %get3A_380 = tpu.vector_load %arg10[%get3A, %get3A_379] {strides = array<i32>} : memref<64x16xf32, #tpu.memory_space<vmem>>, vector<1x16xf32>,
      %get3A_381 = vector.shape_cast %get3A_380 : vector<1x16xf32> to vector<16xf32>
      %add3A_382 = arith.constant 16 : i32
      %add3A_383 = arith.addi %add3A_382, %scan3A_376 : i32
      %get3A_384 = arith.index_cast %add3A_383 : i32 to index
      %get3A_385 = arith.constant 0 : index
      %get3A_386 = tpu.vector_load %arg11[%get3A_384, %get3A_385] {strides = array<i32>} : memref<64x16xf32, #tpu.memory_space<vmem>>, vector<1x16xf32>,
      %get3A_387 = vector.shape_cast %get3A_386 : vector<1x16xf32> to vector<16xf32>
      %scan3A_388 = arith.constant 0 : i32
      %scan3A_389 = arith.constant 64 : i32
      %scan3A_390 = arith.addi %scan3A_388, %scan3A_389 : i32
      %scan3A_391 = arith.constant 1 : i32
      scf.for %scan3A_393 = %scan3A_388 to %scan3A_390 step %scan3A_391  : i32 {
        %mul3A_394 = arith.constant 16 : i32
        %mul3A_395 = arith.muli %scan3A_393, %mul3A_394 : i32
        %get3A_396 = arith.constant 1 : i32
        %get3A_397 = arith.index_cast %get3A_396 : i32 to index
        %get3A_398 = arith.index_cast %scan3A_376 : i32 to index
        %get3A_399 = arith.index_cast %mul3A_395 : i32 to index
        %get3A_400 = tpu.vector_load %arg12[%get3A_397, %get3A_398, %get3A_399] {strides = array<i32>} : memref<2x16x1024xf32, #tpu.memory_space<vmem>>, vector<1x1x16xf32>,
        %get3A_401 = vector.shape_cast %get3A_400 : vector<1x1x16xf32> to vector<16xf32>
        %mul3A_402 = arith.mulf %get3A_381, %get3A_401 : vector<16xf32>
        %get3A_403 = arith.constant 1 : i32
        %get3A_404 = arith.index_cast %get3A_403 : i32 to index
        %get3A_405 = arith.index_cast %scan3A_376 : i32 to index
        %get3A_406 = arith.index_cast %mul3A_395 : i32 to index
        %get3A_407 = tpu.vector_load %arg13[%get3A_404, %get3A_405, %get3A_406] {strides = array<i32>} : memref<2x16x1024xf32, #tpu.memory_space<vmem>>, vector<1x1x16xf32>,
        %get3A_408 = vector.shape_cast %get3A_407 : vector<1x1x16xf32> to vector<16xf32>
        %mul3A_409 = arith.mulf %get3A_387, %get3A_408 : vector<16xf32>
        %add3A_410 = arith.addf %mul3A_402, %mul3A_409 : vector<16xf32>
        %swap3A = arith.constant 1 : i32
        %swap3A_411 = arith.index_cast %swap3A : i32 to index
        %swap3A_412 = arith.index_cast %scan3A_376 : i32 to index
        %swap3A_413 = arith.index_cast %mul3A_395 : i32 to index
        %swap3A_414 = tpu.vector_load %arg12[%swap3A_411, %swap3A_412, %swap3A_413] {strides = array<i32>} : memref<2x16x1024xf32, #tpu.memory_space<vmem>>, vector<1x1x16xf32>,
        %swap3A_415 = vector.shape_cast %swap3A_414 : vector<1x1x16xf32> to vector<16xf32>
        %swap3A_416 = vector.shape_cast %add3A_410 : vector<16xf32> to vector<1x1x16xf32>
        tpu.vector_store %arg12[%swap3A_411, %swap3A_412, %swap3A_413], %swap3A_416 {strides = array<i32>} : memref<2x16x1024xf32, #tpu.memory_space<vmem>>, vector<1x1x16xf32>,
      }
      %scan3A_392 = arith.constant 64 : i32
    }
    %scan3A_177 = arith.constant 16 : i32
    %add3A_178 = arith.constant 16 : i32
    %add3A_179 = arith.addi %mul3A_2, %add3A_178 : i32
    %dma_start3A_180 = arith.constant 1 : i32
    %dma_start3A_181 = arith.constant 1 : i32
    %dma_start3A_182 = arith.constant 0 : i32
    %dma_start3A_183 = arith.constant 0 : i32
    %dma_start3A_184 = tpu.memref_slice %arg12[%dma_start3A_180, %dma_start3A_182, %dma_start3A_183] : memref<2x16x1024xf32, #tpu.memory_space<vmem>> -> memref<1x16x1024xf32, #tpu.memory_space<vmem>>
    %dma_start3A_185 = tpu.memref_squeeze %dma_start3A_184 : memref<1x16x1024xf32, #tpu.memory_space<vmem>> -> memref<16x1024xf32, #tpu.memory_space<vmem>>
    %dma_start3A_186 = arith.constant 0 : i32
    %dma_start3A_187 = tpu.memref_slice %arg7[%add3A_179, %dma_start3A_186] : memref<2048x1024xf32, #tpu.memory_space<hbm>> -> memref<16x1024xf32, #tpu.memory_space<hbm>>
    %dma_start3A_188 = tpu.memref_slice %arg15[%dma_start3A_181] : memref<2x!tpu.dma_semaphore, #tpu.memory_space<semaphore_mem>> -> memref<1x!tpu.dma_semaphore, #tpu.memory_space<semaphore_mem>>
    %dma_start3A_189 = tpu.memref_squeeze %dma_start3A_188 : memref<1x!tpu.dma_semaphore, #tpu.memory_space<semaphore_mem>> -> memref<!tpu.dma_semaphore, #tpu.memory_space<semaphore_mem>>
    %dma_start3A_190 = arith.constant 0 : i32
    %dma_start3A_191 = tpu.memref_slice %arg7[%add3A_179, %dma_start3A_190] : memref<2048x1024xf32, #tpu.memory_space<hbm>> -> memref<16x1024xf32, #tpu.memory_space<hbm>>
    %dma_start3A_192 = arith.constant 0 : i32
    %dma_start3A_193 = arith.constant 0 : i32
    %dma_start3A_194 = tpu.memref_slice %arg12[%dma_start3A_180, %dma_start3A_192, %dma_start3A_193] : memref<2x16x1024xf32, #tpu.memory_space<vmem>> -> memref<1x16x1024xf32, #tpu.memory_space<vmem>>
    %dma_start3A_195 = tpu.memref_squeeze %dma_start3A_194 : memref<1x16x1024xf32, #tpu.memory_space<vmem>> -> memref<16x1024xf32, #tpu.memory_space<vmem>>
    tpu.enqueue_dma source(%dma_start3A_195 : memref<16x1024xf32, #tpu.memory_space<vmem>>) target(%dma_start3A_191 : memref<16x1024xf32, #tpu.memory_space<hbm>>) target_semaphore(%dma_start3A_189 : memref<!tpu.dma_semaphore, #tpu.memory_space<semaphore_mem>>)
    %add3A_196 = arith.constant 16 : i32
    %add3A_197 = arith.addi %mul3A_2, %add3A_196 : i32
    %dma_wait3A_198 = arith.constant 1 : i32
    %dma_wait3A_199 = arith.constant 1 : i32
    %dma_wait3A_200 = arith.constant 0 : i32
    %dma_wait3A_201 = arith.constant 0 : i32
    %dma_wait3A_202 = tpu.memref_slice %arg12[%dma_wait3A_198, %dma_wait3A_200, %dma_wait3A_201] : memref<2x16x1024xf32, #tpu.memory_space<vmem>> -> memref<1x16x1024xf32, #tpu.memory_space<vmem>>
    %dma_wait3A_203 = tpu.memref_squeeze %dma_wait3A_202 : memref<1x16x1024xf32, #tpu.memory_space<vmem>> -> memref<16x1024xf32, #tpu.memory_space<vmem>>
    %dma_wait3A_204 = arith.constant 0 : i32
    %dma_wait3A_205 = tpu.memref_slice %arg7[%add3A_197, %dma_wait3A_204] : memref<2048x1024xf32, #tpu.memory_space<hbm>> -> memref<16x1024xf32, #tpu.memory_space<hbm>>
    %dma_wait3A_206 = tpu.memref_slice %arg15[%dma_wait3A_199] : memref<2x!tpu.dma_semaphore, #tpu.memory_space<semaphore_mem>> -> memref<1x!tpu.dma_semaphore, #tpu.memory_space<semaphore_mem>>
    %dma_wait3A_207 = tpu.memref_squeeze %dma_wait3A_206 : memref<1x!tpu.dma_semaphore, #tpu.memory_space<semaphore_mem>> -> memref<!tpu.dma_semaphore, #tpu.memory_space<semaphore_mem>>
    %dma_wait3A_208 = arith.constant 0 : i32
    %dma_wait3A_209 = tpu.memref_slice %arg7[%add3A_197, %dma_wait3A_208] : memref<2048x1024xf32, #tpu.memory_space<hbm>> -> memref<16x1024xf32, #tpu.memory_space<hbm>>
    %dma_wait3A_210 = arith.constant 0 : i32
    %dma_wait3A_211 = arith.constant 0 : i32
    %dma_wait3A_212 = tpu.memref_slice %arg12[%dma_wait3A_198, %dma_wait3A_210, %dma_wait3A_211] : memref<2x16x1024xf32, #tpu.memory_space<vmem>> -> memref<1x16x1024xf32, #tpu.memory_space<vmem>>
    %dma_wait3A_213 = tpu.memref_squeeze %dma_wait3A_212 : memref<1x16x1024xf32, #tpu.memory_space<vmem>> -> memref<16x1024xf32, #tpu.memory_space<vmem>>
    tpu.wait_dma2 semaphore(%dma_wait3A_207 : memref<!tpu.dma_semaphore, #tpu.memory_space<semaphore_mem>>) src(%dma_wait3A_213 : memref<16x1024xf32, #tpu.memory_space<vmem>>) dst(%dma_wait3A_209 : memref<16x1024xf32, #tpu.memory_space<hbm>>)
    %dma_start3A_214 = arith.constant 1 : i32
    %dma_start3A_215 = arith.constant 1 : i32
    %dma_start3A_216 = arith.constant 0 : i32
    %dma_start3A_217 = arith.constant 0 : i32
    %dma_start3A_218 = tpu.memref_slice %arg12[%dma_start3A_214, %dma_start3A_216, %dma_start3A_217] : memref<2x16x1024xf32, #tpu.memory_space<vmem>> -> memref<1x16x1024xf32, #tpu.memory_space<vmem>>
    %dma_start3A_219 = tpu.memref_squeeze %dma_start3A_218 : memref<1x16x1024xf32, #tpu.memory_space<vmem>> -> memref<16x1024xf32, #tpu.memory_space<vmem>>
    %dma_start3A_220 = arith.constant 48 : i32
    %dma_start3A_221 = tpu.memref_slice %arg8[%dma_start3A_220] : memref<64xi32, #tpu.memory_space<vmem>> -> memref<16xi32, #tpu.memory_space<vmem>>
    %dma_start3A_222 = arith.constant 0 : i32
    %dma_start3A_223 = arith.constant 0 : i32
    %dma_start3A_224 = tpu.memref_slice %arg6[%dma_start3A_222, %dma_start3A_223] : memref<5120x1024xf32, #tpu.memory_space<hbm>> -> memref<5120x1024xf32, #tpu.memory_space<hbm>>
    %dma_start3A_225 = tpu.memref_slice %arg14[%dma_start3A_215] : memref<2x!tpu.dma_semaphore, #tpu.memory_space<semaphore_mem>> -> memref<1x!tpu.dma_semaphore, #tpu.memory_space<semaphore_mem>>
    %dma_start3A_226 = tpu.memref_squeeze %dma_start3A_225 : memref<1x!tpu.dma_semaphore, #tpu.memory_space<semaphore_mem>> -> memref<!tpu.dma_semaphore, #tpu.memory_space<semaphore_mem>>
    tpu.enqueue_indirect_dma source(%dma_start3A_224 : memref<5120x1024xf32, #tpu.memory_space<hbm>>) target(%dma_start3A_219 : memref<16x1024xf32, #tpu.memory_space<vmem>>) offsets(%dma_start3A_221 : memref<16xi32, #tpu.memory_space<vmem>>) semaphore(%dma_start3A_226 : memref<!tpu.dma_semaphore, #tpu.memory_space<semaphore_mem>>)
    %dma_start3A_227 = arith.constant 1 : i32
    %dma_start3A_228 = arith.constant 1 : i32
    %dma_start3A_229 = arith.constant 0 : i32
    %dma_start3A_230 = arith.constant 0 : i32
    %dma_start3A_231 = tpu.memref_slice %arg13[%dma_start3A_227, %dma_start3A_229, %dma_start3A_230] : memref<2x16x1024xf32, #tpu.memory_space<vmem>> -> memref<1x16x1024xf32, #tpu.memory_space<vmem>>
    %dma_start3A_232 = tpu.memref_squeeze %dma_start3A_231 : memref<1x16x1024xf32, #tpu.memory_space<vmem>> -> memref<16x1024xf32, #tpu.memory_space<vmem>>
    %dma_start3A_233 = arith.constant 48 : i32
    %dma_start3A_234 = tpu.memref_slice %arg9[%dma_start3A_233] : memref<64xi32, #tpu.memory_space<vmem>> -> memref<16xi32, #tpu.memory_space<vmem>>
    %dma_start3A_235 = arith.constant 0 : i32
    %dma_start3A_236 = arith.constant 0 : i32
    %dma_start3A_237 = tpu.memref_slice %arg6[%dma_start3A_235, %dma_start3A_236] : memref<5120x1024xf32, #tpu.memory_space<hbm>> -> memref<5120x1024xf32, #tpu.memory_space<hbm>>
    %dma_start3A_238 = tpu.memref_slice %arg14[%dma_start3A_228] : memref<2x!tpu.dma_semaphore, #tpu.memory_space<semaphore_mem>> -> memref<1x!tpu.dma_semaphore, #tpu.memory_space<semaphore_mem>>
    %dma_start3A_239 = tpu.memref_squeeze %dma_start3A_238 : memref<1x!tpu.dma_semaphore, #tpu.memory_space<semaphore_mem>> -> memref<!tpu.dma_semaphore, #tpu.memory_space<semaphore_mem>>
    tpu.enqueue_indirect_dma source(%dma_start3A_237 : memref<5120x1024xf32, #tpu.memory_space<hbm>>) target(%dma_start3A_232 : memref<16x1024xf32, #tpu.memory_space<vmem>>) offsets(%dma_start3A_234 : memref<16xi32, #tpu.memory_space<vmem>>) semaphore(%dma_start3A_239 : memref<!tpu.dma_semaphore, #tpu.memory_space<semaphore_mem>>)
    %dma_wait3A_240 = arith.constant 0 : i32
    %dma_wait3A_241 = arith.constant 0 : i32
    %dma_wait3A_242 = arith.constant 0 : i32
    %dma_wait3A_243 = arith.constant 0 : i32
    %dma_wait3A_244 = tpu.memref_slice %arg12[%dma_wait3A_240, %dma_wait3A_242, %dma_wait3A_243] : memref<2x16x1024xf32, #tpu.memory_space<vmem>> -> memref<1x16x1024xf32, #tpu.memory_space<vmem>>
    %dma_wait3A_245 = tpu.memref_squeeze %dma_wait3A_244 : memref<1x16x1024xf32, #tpu.memory_space<vmem>> -> memref<16x1024xf32, #tpu.memory_space<vmem>>
    %dma_wait3A_246 = arith.constant 32 : i32
    %dma_wait3A_247 = tpu.memref_slice %arg8[%dma_wait3A_246] : memref<64xi32, #tpu.memory_space<vmem>> -> memref<16xi32, #tpu.memory_space<vmem>>
    %dma_wait3A_248 = arith.constant 0 : i32
    %dma_wait3A_249 = arith.constant 0 : i32
    %dma_wait3A_250 = tpu.memref_slice %arg6[%dma_wait3A_248, %dma_wait3A_249] : memref<5120x1024xf32, #tpu.memory_space<hbm>> -> memref<5120x1024xf32, #tpu.memory_space<hbm>>
    %dma_wait3A_251 = tpu.memref_slice %arg14[%dma_wait3A_241] : memref<2x!tpu.dma_semaphore, #tpu.memory_space<semaphore_mem>> -> memref<1x!tpu.dma_semaphore, #tpu.memory_space<semaphore_mem>>
    %dma_wait3A_252 = tpu.memref_squeeze %dma_wait3A_251 : memref<1x!tpu.dma_semaphore, #tpu.memory_space<semaphore_mem>> -> memref<!tpu.dma_semaphore, #tpu.memory_space<semaphore_mem>>
    tpu.wait_indirect_dma semaphore(%dma_wait3A_252 : memref<!tpu.dma_semaphore, #tpu.memory_space<semaphore_mem>>) src(%dma_wait3A_250 : memref<5120x1024xf32, #tpu.memory_space<hbm>>) dst(%dma_wait3A_245 : memref<16x1024xf32, #tpu.memory_space<vmem>>)
    %dma_wait3A_253 = arith.constant 0 : i32
    %dma_wait3A_254 = arith.constant 0 : i32
    %dma_wait3A_255 = arith.constant 0 : i32
    %dma_wait3A_256 = arith.constant 0 : i32
    %dma_wait3A_257 = tpu.memref_slice %arg13[%dma_wait3A_253, %dma_wait3A_255, %dma_wait3A_256] : memref<2x16x1024xf32, #tpu.memory_space<vmem>> -> memref<1x16x1024xf32, #tpu.memory_space<vmem>>
    %dma_wait3A_258 = tpu.memref_squeeze %dma_wait3A_257 : memref<1x16x1024xf32, #tpu.memory_space<vmem>> -> memref<16x1024xf32, #tpu.memory_space<vmem>>
    %dma_wait3A_259 = arith.constant 32 : i32
    %dma_wait3A_260 = tpu.memref_slice %arg9[%dma_wait3A_259] : memref<64xi32, #tpu.memory_space<vmem>> -> memref<16xi32, #tpu.memory_space<vmem>>
    %dma_wait3A_261 = arith.constant 0 : i32
    %dma_wait3A_262 = arith.constant 0 : i32
    %dma_wait3A_263 = tpu.memref_slice %arg6[%dma_wait3A_261, %dma_wait3A_262] : memref<5120x1024xf32, #tpu.memory_space<hbm>> -> memref<5120x1024xf32, #tpu.memory_space<hbm>>
    %dma_wait3A_264 = tpu.memref_slice %arg14[%dma_wait3A_254] : memref<2x!tpu.dma_semaphore, #tpu.memory_space<semaphore_mem>> -> memref<1x!tpu.dma_semaphore, #tpu.memory_space<semaphore_mem>>
    %dma_wait3A_265 = tpu.memref_squeeze %dma_wait3A_264 : memref<1x!tpu.dma_semaphore, #tpu.memory_space<semaphore_mem>> -> memref<!tpu.dma_semaphore, #tpu.memory_space<semaphore_mem>>
    tpu.wait_indirect_dma semaphore(%dma_wait3A_265 : memref<!tpu.dma_semaphore, #tpu.memory_space<semaphore_mem>>) src(%dma_wait3A_263 : memref<5120x1024xf32, #tpu.memory_space<hbm>>) dst(%dma_wait3A_258 : memref<16x1024xf32, #tpu.memory_space<vmem>>)
    %scan3A_266 = arith.constant 0 : i32
    %scan3A_267 = arith.constant 0 : i32
    %scan3A_268 = arith.constant 16 : i32
    %scan3A_269 = arith.addi %scan3A_267, %scan3A_268 : i32
    %scan3A_270 = arith.constant 1 : i32
    scf.for %scan3A_376 = %scan3A_267 to %scan3A_269 step %scan3A_270  : i32 {
      %add3A_377 = arith.constant 32 : i32
      %add3A_378 = arith.addi %add3A_377, %scan3A_376 : i32
      %get3A = arith.index_cast %add3A_378 : i32 to index
      %get3A_379 = arith.constant 0 : index
      %get3A_380 = tpu.vector_load %arg10[%get3A, %get3A_379] {strides = array<i32>} : memref<64x16xf32, #tpu.memory_space<vmem>>, vector<1x16xf32>,
      %get3A_381 = vector.shape_cast %get3A_380 : vector<1x16xf32> to vector<16xf32>
      %add3A_382 = arith.constant 32 : i32
      %add3A_383 = arith.addi %add3A_382, %scan3A_376 : i32
      %get3A_384 = arith.index_cast %add3A_383 : i32 to index
      %get3A_385 = arith.constant 0 : index
      %get3A_386 = tpu.vector_load %arg11[%get3A_384, %get3A_385] {strides = array<i32>} : memref<64x16xf32, #tpu.memory_space<vmem>>, vector<1x16xf32>,
      %get3A_387 = vector.shape_cast %get3A_386 : vector<1x16xf32> to vector<16xf32>
      %scan3A_388 = arith.constant 0 : i32
      %scan3A_389 = arith.constant 64 : i32
      %scan3A_390 = arith.addi %scan3A_388, %scan3A_389 : i32
      %scan3A_391 = arith.constant 1 : i32
      scf.for %scan3A_393 = %scan3A_388 to %scan3A_390 step %scan3A_391  : i32 {
        %mul3A_394 = arith.constant 16 : i32
        %mul3A_395 = arith.muli %scan3A_393, %mul3A_394 : i32
        %get3A_396 = arith.constant 0 : i32
        %get3A_397 = arith.index_cast %get3A_396 : i32 to index
        %get3A_398 = arith.index_cast %scan3A_376 : i32 to index
        %get3A_399 = arith.index_cast %mul3A_395 : i32 to index
        %get3A_400 = tpu.vector_load %arg12[%get3A_397, %get3A_398, %get3A_399] {strides = array<i32>} : memref<2x16x1024xf32, #tpu.memory_space<vmem>>, vector<1x1x16xf32>,
        %get3A_401 = vector.shape_cast %get3A_400 : vector<1x1x16xf32> to vector<16xf32>
        %mul3A_402 = arith.mulf %get3A_381, %get3A_401 : vector<16xf32>
        %get3A_403 = arith.constant 0 : i32
        %get3A_404 = arith.index_cast %get3A_403 : i32 to index
        %get3A_405 = arith.index_cast %scan3A_376 : i32 to index
        %get3A_406 = arith.index_cast %mul3A_395 : i32 to index
        %get3A_407 = tpu.vector_load %arg13[%get3A_404, %get3A_405, %get3A_406] {strides = array<i32>} : memref<2x16x1024xf32, #tpu.memory_space<vmem>>, vector<1x1x16xf32>,
        %get3A_408 = vector.shape_cast %get3A_407 : vector<1x1x16xf32> to vector<16xf32>
        %mul3A_409 = arith.mulf %get3A_387, %get3A_408 : vector<16xf32>
        %add3A_410 = arith.addf %mul3A_402, %mul3A_409 : vector<16xf32>
        %swap3A = arith.constant 0 : i32
        %swap3A_411 = arith.index_cast %swap3A : i32 to index
        %swap3A_412 = arith.index_cast %scan3A_376 : i32 to index
        %swap3A_413 = arith.index_cast %mul3A_395 : i32 to index
        %swap3A_414 = tpu.vector_load %arg12[%swap3A_411, %swap3A_412, %swap3A_413] {strides = array<i32>} : memref<2x16x1024xf32, #tpu.memory_space<vmem>>, vector<1x1x16xf32>,
        %swap3A_415 = vector.shape_cast %swap3A_414 : vector<1x1x16xf32> to vector<16xf32>
        %swap3A_416 = vector.shape_cast %add3A_410 : vector<16xf32> to vector<1x1x16xf32>
        tpu.vector_store %arg12[%swap3A_411, %swap3A_412, %swap3A_413], %swap3A_416 {strides = array<i32>} : memref<2x16x1024xf32, #tpu.memory_space<vmem>>, vector<1x1x16xf32>,
      }
      %scan3A_392 = arith.constant 64 : i32
    }
    %scan3A_271 = arith.constant 16 : i32
    %add3A_272 = arith.constant 32 : i32
    %add3A_273 = arith.addi %mul3A_2, %add3A_272 : i32
    %dma_start3A_274 = arith.constant 0 : i32
    %dma_start3A_275 = arith.constant 0 : i32
    %dma_start3A_276 = arith.constant 0 : i32
    %dma_start3A_277 = arith.constant 0 : i32
    %dma_start3A_278 = tpu.memref_slice %arg12[%dma_start3A_274, %dma_start3A_276, %dma_start3A_277] : memref<2x16x1024xf32, #tpu.memory_space<vmem>> -> memref<1x16x1024xf32, #tpu.memory_space<vmem>>
    %dma_start3A_279 = tpu.memref_squeeze %dma_start3A_278 : memref<1x16x1024xf32, #tpu.memory_space<vmem>> -> memref<16x1024xf32, #tpu.memory_space<vmem>>
    %dma_start3A_280 = arith.constant 0 : i32
    %dma_start3A_281 = tpu.memref_slice %arg7[%add3A_273, %dma_start3A_280] : memref<2048x1024xf32, #tpu.memory_space<hbm>> -> memref<16x1024xf32, #tpu.memory_space<hbm>>
    %dma_start3A_282 = tpu.memref_slice %arg15[%dma_start3A_275] : memref<2x!tpu.dma_semaphore, #tpu.memory_space<semaphore_mem>> -> memref<1x!tpu.dma_semaphore, #tpu.memory_space<semaphore_mem>>
    %dma_start3A_283 = tpu.memref_squeeze %dma_start3A_282 : memref<1x!tpu.dma_semaphore, #tpu.memory_space<semaphore_mem>> -> memref<!tpu.dma_semaphore, #tpu.memory_space<semaphore_mem>>
    %dma_start3A_284 = arith.constant 0 : i32
    %dma_start3A_285 = tpu.memref_slice %arg7[%add3A_273, %dma_start3A_284] : memref<2048x1024xf32, #tpu.memory_space<hbm>> -> memref<16x1024xf32, #tpu.memory_space<hbm>>
    %dma_start3A_286 = arith.constant 0 : i32
    %dma_start3A_287 = arith.constant 0 : i32
    %dma_start3A_288 = tpu.memref_slice %arg12[%dma_start3A_274, %dma_start3A_286, %dma_start3A_287] : memref<2x16x1024xf32, #tpu.memory_space<vmem>> -> memref<1x16x1024xf32, #tpu.memory_space<vmem>>
    %dma_start3A_289 = tpu.memref_squeeze %dma_start3A_288 : memref<1x16x1024xf32, #tpu.memory_space<vmem>> -> memref<16x1024xf32, #tpu.memory_space<vmem>>
    tpu.enqueue_dma source(%dma_start3A_289 : memref<16x1024xf32, #tpu.memory_space<vmem>>) target(%dma_start3A_285 : memref<16x1024xf32, #tpu.memory_space<hbm>>) target_semaphore(%dma_start3A_283 : memref<!tpu.dma_semaphore, #tpu.memory_space<semaphore_mem>>)
    %dma_wait3A_290 = arith.constant 1 : i32
    %dma_wait3A_291 = arith.constant 1 : i32
    %dma_wait3A_292 = arith.constant 0 : i32
    %dma_wait3A_293 = arith.constant 0 : i32
    %dma_wait3A_294 = tpu.memref_slice %arg12[%dma_wait3A_290, %dma_wait3A_292, %dma_wait3A_293] : memref<2x16x1024xf32, #tpu.memory_space<vmem>> -> memref<1x16x1024xf32, #tpu.memory_space<vmem>>
    %dma_wait3A_295 = tpu.memref_squeeze %dma_wait3A_294 : memref<1x16x1024xf32, #tpu.memory_space<vmem>> -> memref<16x1024xf32, #tpu.memory_space<vmem>>
    %dma_wait3A_296 = arith.constant 48 : i32
    %dma_wait3A_297 = tpu.memref_slice %arg8[%dma_wait3A_296] : memref<64xi32, #tpu.memory_space<vmem>> -> memref<16xi32, #tpu.memory_space<vmem>>
    %dma_wait3A_298 = arith.constant 0 : i32
    %dma_wait3A_299 = arith.constant 0 : i32
    %dma_wait3A_300 = tpu.memref_slice %arg6[%dma_wait3A_298, %dma_wait3A_299] : memref<5120x1024xf32, #tpu.memory_space<hbm>> -> memref<5120x1024xf32, #tpu.memory_space<hbm>>
    %dma_wait3A_301 = tpu.memref_slice %arg14[%dma_wait3A_291] : memref<2x!tpu.dma_semaphore, #tpu.memory_space<semaphore_mem>> -> memref<1x!tpu.dma_semaphore, #tpu.memory_space<semaphore_mem>>
    %dma_wait3A_302 = tpu.memref_squeeze %dma_wait3A_301 : memref<1x!tpu.dma_semaphore, #tpu.memory_space<semaphore_mem>> -> memref<!tpu.dma_semaphore, #tpu.memory_space<semaphore_mem>>
    tpu.wait_indirect_dma semaphore(%dma_wait3A_302 : memref<!tpu.dma_semaphore, #tpu.memory_space<semaphore_mem>>) src(%dma_wait3A_300 : memref<5120x1024xf32, #tpu.memory_space<hbm>>) dst(%dma_wait3A_295 : memref<16x1024xf32, #tpu.memory_space<vmem>>)
    %dma_wait3A_303 = arith.constant 1 : i32
    %dma_wait3A_304 = arith.constant 1 : i32
    %dma_wait3A_305 = arith.constant 0 : i32
    %dma_wait3A_306 = arith.constant 0 : i32
    %dma_wait3A_307 = tpu.memref_slice %arg13[%dma_wait3A_303, %dma_wait3A_305, %dma_wait3A_306] : memref<2x16x1024xf32, #tpu.memory_space<vmem>> -> memref<1x16x1024xf32, #tpu.memory_space<vmem>>
    %dma_wait3A_308 = tpu.memref_squeeze %dma_wait3A_307 : memref<1x16x1024xf32, #tpu.memory_space<vmem>> -> memref<16x1024xf32, #tpu.memory_space<vmem>>
    %dma_wait3A_309 = arith.constant 48 : i32
    %dma_wait3A_310 = tpu.memref_slice %arg9[%dma_wait3A_309] : memref<64xi32, #tpu.memory_space<vmem>> -> memref<16xi32, #tpu.memory_space<vmem>>
    %dma_wait3A_311 = arith.constant 0 : i32
    %dma_wait3A_312 = arith.constant 0 : i32
    %dma_wait3A_313 = tpu.memref_slice %arg6[%dma_wait3A_311, %dma_wait3A_312] : memref<5120x1024xf32, #tpu.memory_space<hbm>> -> memref<5120x1024xf32, #tpu.memory_space<hbm>>
    %dma_wait3A_314 = tpu.memref_slice %arg14[%dma_wait3A_304] : memref<2x!tpu.dma_semaphore, #tpu.memory_space<semaphore_mem>> -> memref<1x!tpu.dma_semaphore, #tpu.memory_space<semaphore_mem>>
    %dma_wait3A_315 = tpu.memref_squeeze %dma_wait3A_314 : memref<1x!tpu.dma_semaphore, #tpu.memory_space<semaphore_mem>> -> memref<!tpu.dma_semaphore, #tpu.memory_space<semaphore_mem>>
    tpu.wait_indirect_dma semaphore(%dma_wait3A_315 : memref<!tpu.dma_semaphore, #tpu.memory_space<semaphore_mem>>) src(%dma_wait3A_313 : memref<5120x1024xf32, #tpu.memory_space<hbm>>) dst(%dma_wait3A_308 : memref<16x1024xf32, #tpu.memory_space<vmem>>)
    %scan3A_316 = arith.constant 0 : i32
    %scan3A_317 = arith.constant 0 : i32
    %scan3A_318 = arith.constant 16 : i32
    %scan3A_319 = arith.addi %scan3A_317, %scan3A_318 : i32
    %scan3A_320 = arith.constant 1 : i32
    scf.for %scan3A_376 = %scan3A_317 to %scan3A_319 step %scan3A_320  : i32 {
      %add3A_377 = arith.constant 48 : i32
      %add3A_378 = arith.addi %add3A_377, %scan3A_376 : i32
      %get3A = arith.index_cast %add3A_378 : i32 to index
      %get3A_379 = arith.constant 0 : index
      %get3A_380 = tpu.vector_load %arg10[%get3A, %get3A_379] {strides = array<i32>} : memref<64x16xf32, #tpu.memory_space<vmem>>, vector<1x16xf32>,
      %get3A_381 = vector.shape_cast %get3A_380 : vector<1x16xf32> to vector<16xf32>
      %add3A_382 = arith.constant 48 : i32
      %add3A_383 = arith.addi %add3A_382, %scan3A_376 : i32
      %get3A_384 = arith.index_cast %add3A_383 : i32 to index
      %get3A_385 = arith.constant 0 : index
      %get3A_386 = tpu.vector_load %arg11[%get3A_384, %get3A_385] {strides = array<i32>} : memref<64x16xf32, #tpu.memory_space<vmem>>, vector<1x16xf32>,
      %get3A_387 = vector.shape_cast %get3A_386 : vector<1x16xf32> to vector<16xf32>
      %scan3A_388 = arith.constant 0 : i32
      %scan3A_389 = arith.constant 64 : i32
      %scan3A_390 = arith.addi %scan3A_388, %scan3A_389 : i32
      %scan3A_391 = arith.constant 1 : i32
      scf.for %scan3A_393 = %scan3A_388 to %scan3A_390 step %scan3A_391  : i32 {
        %mul3A_394 = arith.constant 16 : i32
        %mul3A_395 = arith.muli %scan3A_393, %mul3A_394 : i32
        %get3A_396 = arith.constant 1 : i32
        %get3A_397 = arith.index_cast %get3A_396 : i32 to index
        %get3A_398 = arith.index_cast %scan3A_376 : i32 to index
        %get3A_399 = arith.index_cast %mul3A_395 : i32 to index
        %get3A_400 = tpu.vector_load %arg12[%get3A_397, %get3A_398, %get3A_399] {strides = array<i32>} : memref<2x16x1024xf32, #tpu.memory_space<vmem>>, vector<1x1x16xf32>,
        %get3A_401 = vector.shape_cast %get3A_400 : vector<1x1x16xf32> to vector<16xf32>
        %mul3A_402 = arith.mulf %get3A_381, %get3A_401 : vector<16xf32>
        %get3A_403 = arith.constant 1 : i32
        %get3A_404 = arith.index_cast %get3A_403 : i32 to index
        %get3A_405 = arith.index_cast %scan3A_376 : i32 to index
        %get3A_406 = arith.index_cast %mul3A_395 : i32 to index
        %get3A_407 = tpu.vector_load %arg13[%get3A_404, %get3A_405, %get3A_406] {strides = array<i32>} : memref<2x16x1024xf32, #tpu.memory_space<vmem>>, vector<1x1x16xf32>,
        %get3A_408 = vector.shape_cast %get3A_407 : vector<1x1x16xf32> to vector<16xf32>
        %mul3A_409 = arith.mulf %get3A_387, %get3A_408 : vector<16xf32>
        %add3A_410 = arith.addf %mul3A_402, %mul3A_409 : vector<16xf32>
        %swap3A = arith.constant 1 : i32
        %swap3A_411 = arith.index_cast %swap3A : i32 to index
        %swap3A_412 = arith.index_cast %scan3A_376 : i32 to index
        %swap3A_413 = arith.index_cast %mul3A_395 : i32 to index
        %swap3A_414 = tpu.vector_load %arg12[%swap3A_411, %swap3A_412, %swap3A_413] {strides = array<i32>} : memref<2x16x1024xf32, #tpu.memory_space<vmem>>, vector<1x1x16xf32>,
        %swap3A_415 = vector.shape_cast %swap3A_414 : vector<1x1x16xf32> to vector<16xf32>
        %swap3A_416 = vector.shape_cast %add3A_410 : vector<16xf32> to vector<1x1x16xf32>
        tpu.vector_store %arg12[%swap3A_411, %swap3A_412, %swap3A_413], %swap3A_416 {strides = array<i32>} : memref<2x16x1024xf32, #tpu.memory_space<vmem>>, vector<1x1x16xf32>,
      }
      %scan3A_392 = arith.constant 64 : i32
    }
    %scan3A_321 = arith.constant 16 : i32
    %add3A_322 = arith.constant 48 : i32
    %add3A_323 = arith.addi %mul3A_2, %add3A_322 : i32
    %dma_start3A_324 = arith.constant 1 : i32
    %dma_start3A_325 = arith.constant 1 : i32
    %dma_start3A_326 = arith.constant 0 : i32
    %dma_start3A_327 = arith.constant 0 : i32
    %dma_start3A_328 = tpu.memref_slice %arg12[%dma_start3A_324, %dma_start3A_326, %dma_start3A_327] : memref<2x16x1024xf32, #tpu.memory_space<vmem>> -> memref<1x16x1024xf32, #tpu.memory_space<vmem>>
    %dma_start3A_329 = tpu.memref_squeeze %dma_start3A_328 : memref<1x16x1024xf32, #tpu.memory_space<vmem>> -> memref<16x1024xf32, #tpu.memory_space<vmem>>
    %dma_start3A_330 = arith.constant 0 : i32
    %dma_start3A_331 = tpu.memref_slice %arg7[%add3A_323, %dma_start3A_330] : memref<2048x1024xf32, #tpu.memory_space<hbm>> -> memref<16x1024xf32, #tpu.memory_space<hbm>>
    %dma_start3A_332 = tpu.memref_slice %arg15[%dma_start3A_325] : memref<2x!tpu.dma_semaphore, #tpu.memory_space<semaphore_mem>> -> memref<1x!tpu.dma_semaphore, #tpu.memory_space<semaphore_mem>>
    %dma_start3A_333 = tpu.memref_squeeze %dma_start3A_332 : memref<1x!tpu.dma_semaphore, #tpu.memory_space<semaphore_mem>> -> memref<!tpu.dma_semaphore, #tpu.memory_space<semaphore_mem>>
    %dma_start3A_334 = arith.constant 0 : i32
    %dma_start3A_335 = tpu.memref_slice %arg7[%add3A_323, %dma_start3A_334] : memref<2048x1024xf32, #tpu.memory_space<hbm>> -> memref<16x1024xf32, #tpu.memory_space<hbm>>
    %dma_start3A_336 = arith.constant 0 : i32
    %dma_start3A_337 = arith.constant 0 : i32
    %dma_start3A_338 = tpu.memref_slice %arg12[%dma_start3A_324, %dma_start3A_336, %dma_start3A_337] : memref<2x16x1024xf32, #tpu.memory_space<vmem>> -> memref<1x16x1024xf32, #tpu.memory_space<vmem>>
    %dma_start3A_339 = tpu.memref_squeeze %dma_start3A_338 : memref<1x16x1024xf32, #tpu.memory_space<vmem>> -> memref<16x1024xf32, #tpu.memory_space<vmem>>
    tpu.enqueue_dma source(%dma_start3A_339 : memref<16x1024xf32, #tpu.memory_space<vmem>>) target(%dma_start3A_335 : memref<16x1024xf32, #tpu.memory_space<hbm>>) target_semaphore(%dma_start3A_333 : memref<!tpu.dma_semaphore, #tpu.memory_space<semaphore_mem>>)
    %add3A_340 = arith.constant 32 : i32
    %add3A_341 = arith.addi %mul3A_2, %add3A_340 : i32
    %dma_wait3A_342 = arith.constant 0 : i32
    %dma_wait3A_343 = arith.constant 0 : i32
    %dma_wait3A_344 = arith.constant 0 : i32
    %dma_wait3A_345 = arith.constant 0 : i32
    %dma_wait3A_346 = tpu.memref_slice %arg12[%dma_wait3A_342, %dma_wait3A_344, %dma_wait3A_345] : memref<2x16x1024xf32, #tpu.memory_space<vmem>> -> memref<1x16x1024xf32, #tpu.memory_space<vmem>>
    %dma_wait3A_347 = tpu.memref_squeeze %dma_wait3A_346 : memref<1x16x1024xf32, #tpu.memory_space<vmem>> -> memref<16x1024xf32, #tpu.memory_space<vmem>>
    %dma_wait3A_348 = arith.constant 0 : i32
    %dma_wait3A_349 = tpu.memref_slice %arg7[%add3A_341, %dma_wait3A_348] : memref<2048x1024xf32, #tpu.memory_space<hbm>> -> memref<16x1024xf32, #tpu.memory_space<hbm>>
    %dma_wait3A_350 = tpu.memref_slice %arg15[%dma_wait3A_343] : memref<2x!tpu.dma_semaphore, #tpu.memory_space<semaphore_mem>> -> memref<1x!tpu.dma_semaphore, #tpu.memory_space<semaphore_mem>>
    %dma_wait3A_351 = tpu.memref_squeeze %dma_wait3A_350 : memref<1x!tpu.dma_semaphore, #tpu.memory_space<semaphore_mem>> -> memref<!tpu.dma_semaphore, #tpu.memory_space<semaphore_mem>>
    %dma_wait3A_352 = arith.constant 0 : i32
    %dma_wait3A_353 = tpu.memref_slice %arg7[%add3A_341, %dma_wait3A_352] : memref<2048x1024xf32, #tpu.memory_space<hbm>> -> memref<16x1024xf32, #tpu.memory_space<hbm>>
    %dma_wait3A_354 = arith.constant 0 : i32
    %dma_wait3A_355 = arith.constant 0 : i32
    %dma_wait3A_356 = tpu.memref_slice %arg12[%dma_wait3A_342, %dma_wait3A_354, %dma_wait3A_355] : memref<2x16x1024xf32, #tpu.memory_space<vmem>> -> memref<1x16x1024xf32, #tpu.memory_space<vmem>>
    %dma_wait3A_357 = tpu.memref_squeeze %dma_wait3A_356 : memref<1x16x1024xf32, #tpu.memory_space<vmem>> -> memref<16x1024xf32, #tpu.memory_space<vmem>>
    tpu.wait_dma2 semaphore(%dma_wait3A_351 : memref<!tpu.dma_semaphore, #tpu.memory_space<semaphore_mem>>) src(%dma_wait3A_357 : memref<16x1024xf32, #tpu.memory_space<vmem>>) dst(%dma_wait3A_353 : memref<16x1024xf32, #tpu.memory_space<hbm>>)
    %add3A_358 = arith.constant 48 : i32
    %add3A_359 = arith.addi %mul3A_2, %add3A_358 : i32
    %dma_wait3A_360 = arith.constant 1 : i32
    %dma_wait3A_361 = arith.constant 1 : i32
    %dma_wait3A_362 = arith.constant 0 : i32
    %dma_wait3A_363 = arith.constant 0 : i32
    %dma_wait3A_364 = tpu.memref_slice %arg12[%dma_wait3A_360, %dma_wait3A_362, %dma_wait3A_363] : memref<2x16x1024xf32, #tpu.memory_space<vmem>> -> memref<1x16x1024xf32, #tpu.memory_space<vmem>>
    %dma_wait3A_365 = tpu.memref_squeeze %dma_wait3A_364 : memref<1x16x1024xf32, #tpu.memory_space<vmem>> -> memref<16x1024xf32, #tpu.memory_space<vmem>>
    %dma_wait3A_366 = arith.constant 0 : i32
    %dma_wait3A_367 = tpu.memref_slice %arg7[%add3A_359, %dma_wait3A_366] : memref<2048x1024xf32, #tpu.memory_space<hbm>> -> memref<16x1024xf32, #tpu.memory_space<hbm>>
    %dma_wait3A_368 = tpu.memref_slice %arg15[%dma_wait3A_361] : memref<2x!tpu.dma_semaphore, #tpu.memory_space<semaphore_mem>> -> memref<1x!tpu.dma_semaphore, #tpu.memory_space<semaphore_mem>>
    %dma_wait3A_369 = tpu.memref_squeeze %dma_wait3A_368 : memref<1x!tpu.dma_semaphore, #tpu.memory_space<semaphore_mem>> -> memref<!tpu.dma_semaphore, #tpu.memory_space<semaphore_mem>>
    %dma_wait3A_370 = arith.constant 0 : i32
    %dma_wait3A_371 = tpu.memref_slice %arg7[%add3A_359, %dma_wait3A_370] : memref<2048x1024xf32, #tpu.memory_space<hbm>> -> memref<16x1024xf32, #tpu.memory_space<hbm>>
    %dma_wait3A_372 = arith.constant 0 : i32
    %dma_wait3A_373 = arith.constant 0 : i32
    %dma_wait3A_374 = tpu.memref_slice %arg12[%dma_wait3A_360, %dma_wait3A_372, %dma_wait3A_373] : memref<2x16x1024xf32, #tpu.memory_space<vmem>> -> memref<1x16x1024xf32, #tpu.memory_space<vmem>>
    %dma_wait3A_375 = tpu.memref_squeeze %dma_wait3A_374 : memref<1x16x1024xf32, #tpu.memory_space<vmem>> -> memref<16x1024xf32, #tpu.memory_space<vmem>>
    tpu.wait_dma2 semaphore(%dma_wait3A_369 : memref<!tpu.dma_semaphore, #tpu.memory_space<semaphore_mem>>) src(%dma_wait3A_375 : memref<16x1024xf32, #tpu.memory_space<vmem>>) dst(%dma_wait3A_371 : memref<16x1024xf32, #tpu.memory_space<hbm>>)
    return
  }
}

#map = affine_map<(d0, d1) -> (0)>
#map1 = affine_map<(d0, d1) -> (0, 0)>
module attributes {stable_mosaic.version = 14 : i64} {
  func.func @k(%arg0: i32, %arg1: i32, %arg2: memref<2048xi32, #tpu.memory_space<hbm>>, %arg3: memref<2048xi32, #tpu.memory_space<hbm>>, %arg4: memref<2048x1024xf32, #tpu.memory_space<hbm>>, %arg5: memref<5120x1024xf32, #tpu.memory_space<hbm>>, %arg6: memref<64xi32, #tpu.memory_space<vmem>>, %arg7: memref<64xi32, #tpu.memory_space<vmem>>, %arg8: memref<64x1024xf32, #tpu.memory_space<vmem>>, %arg9: memref<!tpu.dma_semaphore, #tpu.memory_space<semaphore_mem>>, %arg10: memref<!tpu.dma_semaphore, #tpu.memory_space<semaphore_mem>>) attributes {dimension_semantics = [#tpu.dimension_semantics<core_parallel>, #tpu.dimension_semantics<subcore_parallel>], iteration_bounds = array<i64: 2, 16>, scalar_prefetch = 0 : i64, scratch_operands = 5 : i64, tpu.core_type = #tpu.core_type<sc_vector_subcore>, window_params = [{transform_indices = #map}, {transform_indices = #map}, {transform_indices = #map1}, {transform_indices = #map1}]} {
    %mul3A = arith.constant 2 : i32
    %mul3A_0 = arith.muli %arg1, %mul3A : i32
    %add3A = arith.addi %mul3A_0, %arg0 : i32
    %mul3A_1 = arith.constant 64 : i32
    %mul3A_2 = arith.muli %add3A, %mul3A_1 : i32
    "tpu.region"() ({
      %run_scoped3A = tpu.sem_alloc : memref<!tpu.dma_semaphore, #tpu.memory_space<semaphore_mem>>
      %dma_start3A_13 = tpu.memref_slice %arg2[%mul3A_2] : memref<2048xi32, #tpu.memory_space<hbm>> -> memref<64xi32, #tpu.memory_space<hbm>>
      %dma_start3A_14 = tpu.memref_slice %arg2[%mul3A_2] : memref<2048xi32, #tpu.memory_space<hbm>> -> memref<64xi32, #tpu.memory_space<hbm>>
      tpu.enqueue_dma source(%dma_start3A_14 : memref<64xi32, #tpu.memory_space<hbm>>) target(%arg6 : memref<64xi32, #tpu.memory_space<vmem>>) target_semaphore(%run_scoped3A : memref<!tpu.dma_semaphore, #tpu.memory_space<semaphore_mem>>)
      %dma_wait3A_15 = tpu.memref_slice %arg2[%mul3A_2] : memref<2048xi32, #tpu.memory_space<hbm>> -> memref<64xi32, #tpu.memory_space<hbm>>
      %dma_wait3A_16 = tpu.memref_slice %arg2[%mul3A_2] : memref<2048xi32, #tpu.memory_space<hbm>> -> memref<64xi32, #tpu.memory_space<hbm>>
      tpu.wait_dma2 semaphore(%run_scoped3A : memref<!tpu.dma_semaphore, #tpu.memory_space<semaphore_mem>>) src(%dma_wait3A_16 : memref<64xi32, #tpu.memory_space<hbm>>) dst(%arg6 : memref<64xi32, #tpu.memory_space<vmem>>)
      tpu.yield
    }) : () -> ()
    "tpu.region"() ({
      %run_scoped3A = tpu.sem_alloc : memref<!tpu.dma_semaphore, #tpu.memory_space<semaphore_mem>>
      %dma_start3A_13 = tpu.memref_slice %arg3[%mul3A_2] : memref<2048xi32, #tpu.memory_space<hbm>> -> memref<64xi32, #tpu.memory_space<hbm>>
      %dma_start3A_14 = tpu.memref_slice %arg3[%mul3A_2] : memref<2048xi32, #tpu.memory_space<hbm>> -> memref<64xi32, #tpu.memory_space<hbm>>
      tpu.enqueue_dma source(%dma_start3A_14 : memref<64xi32, #tpu.memory_space<hbm>>) target(%arg7 : memref<64xi32, #tpu.memory_space<vmem>>) target_semaphore(%run_scoped3A : memref<!tpu.dma_semaphore, #tpu.memory_space<semaphore_mem>>)
      %dma_wait3A_15 = tpu.memref_slice %arg3[%mul3A_2] : memref<2048xi32, #tpu.memory_space<hbm>> -> memref<64xi32, #tpu.memory_space<hbm>>
      %dma_wait3A_16 = tpu.memref_slice %arg3[%mul3A_2] : memref<2048xi32, #tpu.memory_space<hbm>> -> memref<64xi32, #tpu.memory_space<hbm>>
      tpu.wait_dma2 semaphore(%run_scoped3A : memref<!tpu.dma_semaphore, #tpu.memory_space<semaphore_mem>>) src(%dma_wait3A_16 : memref<64xi32, #tpu.memory_space<hbm>>) dst(%arg7 : memref<64xi32, #tpu.memory_space<vmem>>)
      tpu.yield
    }) : () -> ()
    "tpu.region"() ({
      %run_scoped3A = tpu.sem_alloc : memref<!tpu.dma_semaphore, #tpu.memory_space<semaphore_mem>>
      %dma_start3A_13 = arith.constant 0 : i32
      %dma_start3A_14 = tpu.memref_slice %arg4[%mul3A_2, %dma_start3A_13] : memref<2048x1024xf32, #tpu.memory_space<hbm>> -> memref<64x1024xf32, #tpu.memory_space<hbm>>
      %dma_start3A_15 = arith.constant 0 : i32
      %dma_start3A_16 = tpu.memref_slice %arg4[%mul3A_2, %dma_start3A_15] : memref<2048x1024xf32, #tpu.memory_space<hbm>> -> memref<64x1024xf32, #tpu.memory_space<hbm>>
      tpu.enqueue_dma source(%dma_start3A_16 : memref<64x1024xf32, #tpu.memory_space<hbm>>) target(%arg8 : memref<64x1024xf32, #tpu.memory_space<vmem>>) target_semaphore(%run_scoped3A : memref<!tpu.dma_semaphore, #tpu.memory_space<semaphore_mem>>)
      %dma_wait3A_17 = arith.constant 0 : i32
      %dma_wait3A_18 = tpu.memref_slice %arg4[%mul3A_2, %dma_wait3A_17] : memref<2048x1024xf32, #tpu.memory_space<hbm>> -> memref<64x1024xf32, #tpu.memory_space<hbm>>
      %dma_wait3A_19 = arith.constant 0 : i32
      %dma_wait3A_20 = tpu.memref_slice %arg4[%mul3A_2, %dma_wait3A_19] : memref<2048x1024xf32, #tpu.memory_space<hbm>> -> memref<64x1024xf32, #tpu.memory_space<hbm>>
      tpu.wait_dma2 semaphore(%run_scoped3A : memref<!tpu.dma_semaphore, #tpu.memory_space<semaphore_mem>>) src(%dma_wait3A_20 : memref<64x1024xf32, #tpu.memory_space<hbm>>) dst(%arg8 : memref<64x1024xf32, #tpu.memory_space<vmem>>)
      tpu.yield
    }) : () -> ()
    %dma_start3A = arith.constant 0 : i32
    %dma_start3A_3 = arith.constant 0 : i32
    %dma_start3A_4 = tpu.memref_slice %arg5[%dma_start3A, %dma_start3A_3] : memref<5120x1024xf32, #tpu.memory_space<hbm>> -> memref<5120x1024xf32, #tpu.memory_space<hbm>>
    tpu.enqueue_indirect_dma source(%arg8 : memref<64x1024xf32, #tpu.memory_space<vmem>>) target(%dma_start3A_4 : memref<5120x1024xf32, #tpu.memory_space<hbm>>) offsets(%arg6 : memref<64xi32, #tpu.memory_space<vmem>>) semaphore(%arg9 : memref<!tpu.dma_semaphore, #tpu.memory_space<semaphore_mem>>)
    %dma_start3A_5 = arith.constant 0 : i32
    %dma_start3A_6 = arith.constant 0 : i32
    %dma_start3A_7 = tpu.memref_slice %arg5[%dma_start3A_5, %dma_start3A_6] : memref<5120x1024xf32, #tpu.memory_space<hbm>> -> memref<5120x1024xf32, #tpu.memory_space<hbm>>
    tpu.enqueue_indirect_dma source(%arg8 : memref<64x1024xf32, #tpu.memory_space<vmem>>) target(%dma_start3A_7 : memref<5120x1024xf32, #tpu.memory_space<hbm>>) offsets(%arg7 : memref<64xi32, #tpu.memory_space<vmem>>) semaphore(%arg10 : memref<!tpu.dma_semaphore, #tpu.memory_space<semaphore_mem>>)
    %dma_wait3A = arith.constant 0 : i32
    %dma_wait3A_8 = arith.constant 0 : i32
    %dma_wait3A_9 = tpu.memref_slice %arg5[%dma_wait3A, %dma_wait3A_8] : memref<5120x1024xf32, #tpu.memory_space<hbm>> -> memref<5120x1024xf32, #tpu.memory_space<hbm>>
    tpu.wait_indirect_dma semaphore(%arg9 : memref<!tpu.dma_semaphore, #tpu.memory_space<semaphore_mem>>) src(%arg8 : memref<64x1024xf32, #tpu.memory_space<vmem>>) dst(%dma_wait3A_9 : memref<5120x1024xf32, #tpu.memory_space<hbm>>)
    %dma_wait3A_10 = arith.constant 0 : i32
    %dma_wait3A_11 = arith.constant 0 : i32
    %dma_wait3A_12 = tpu.memref_slice %arg5[%dma_wait3A_10, %dma_wait3A_11] : memref<5120x1024xf32, #tpu.memory_space<hbm>> -> memref<5120x1024xf32, #tpu.memory_space<hbm>>
    tpu.wait_indirect_dma semaphore(%arg10 : memref<!tpu.dma_semaphore, #tpu.memory_space<semaphore_mem>>) src(%arg8 : memref<64x1024xf32, #tpu.memory_space<vmem>>) dst(%dma_wait3A_12 : memref<5120x1024xf32, #tpu.memory_space<hbm>>)
    return
  }
}

module attributes {stable_mosaic.version = 14 : i64} {
  func.func @_mlp_body(%arg0: i32, %arg1: memref<40xi32, #tpu.memory_space<smem>>, %arg2: memref<40xi32, #tpu.memory_space<smem>>, %arg3: memref<40xi32, #tpu.memory_space<smem>>, %arg4: memref<40xi32, #tpu.memory_space<smem>>, %arg5: memref<40xi32, #tpu.memory_space<smem>>, %arg6: memref<40xi32, #tpu.memory_space<smem>>, %arg7: memref<128x1024xf32, #tpu.memory_space<vmem>>, %arg8: memref<8x4096x1024xf32, #tpu.memory_space<any>>, %arg9: memref<8x1024x4096xf32, #tpu.memory_space<any>>, %arg10: memref<128x1024xf32, #tpu.memory_space<vmem>>, %arg11: memref<128x4096xf32, #tpu.memory_space<vmem>>, %arg12: memref<2x4096x1024xf32, #tpu.memory_space<vmem>>, %arg13: memref<1024x4096xf32, #tpu.memory_space<vmem>>, %arg14: memref<!tpu.dma_semaphore, #tpu.memory_space<semaphore_mem>>, %arg15: memref<!tpu.dma_semaphore, #tpu.memory_space<semaphore_mem>>) attributes {dimension_semantics = [#tpu.dimension_semantics<arbitrary>], iteration_bounds = array<i64: 40>, scalar_prefetch = 6 : i64, scratch_operands = 5 : i64, tpu.core_type = #tpu.core_type<tc>, window_params = [{transform_indices = @transform_0, window_bounds = array<i64: 128, 1024>}, {}, {}, {transform_indices = @transform_3, window_bounds = array<i64: 128, 1024>}]} {
    %eq3A = arith.constant 0 : i32
    %eq3A_0 = arith.cmpi eq, %arg0, %eq3A : i32
    %convert_element_type3A = arith.extui %eq3A_0 : i1 to i32
    %cond3A = arith.constant 0 : i32
    %cond3A_1 = arith.cmpi ne, %convert_element_type3A, %cond3A : i32
    scf.if %cond3A_1 {
      %get3A_22 = arith.constant 0 : index
      %get3A_23 = memref.load %arg1[%get3A_22] : memref<40xi32, #tpu.memory_space<smem>>
      %dma_start3A = arith.constant 0 : i32
      %dma_start3A_24 = arith.constant 0 : i32
      %dma_start3A_25 = arith.constant 0 : i32
      %dma_start3A_26 = tpu.memref_slice %arg12[%dma_start3A, %dma_start3A_24, %dma_start3A_25] : memref<2x4096x1024xf32, #tpu.memory_space<vmem>> -> memref<1x4096x1024xf32, #tpu.memory_space<vmem>>
      %dma_start3A_27 = tpu.memref_squeeze %dma_start3A_26 : memref<1x4096x1024xf32, #tpu.memory_space<vmem>> -> memref<4096x1024xf32, #tpu.memory_space<vmem>>
      %dma_start3A_28 = arith.constant 0 : i32
      %dma_start3A_29 = arith.constant 0 : i32
      %dma_start3A_30 = tpu.memref_slice %arg8[%get3A_23, %dma_start3A_28, %dma_start3A_29] : memref<8x4096x1024xf32, #tpu.memory_space<any>> -> memref<1x4096x1024xf32, #tpu.memory_space<any>>
      %dma_start3A_31 = tpu.memref_squeeze %dma_start3A_30 : memref<1x4096x1024xf32, #tpu.memory_space<any>> -> memref<4096x1024xf32, #tpu.memory_space<any>>
      tpu.enqueue_dma source(%dma_start3A_31 : memref<4096x1024xf32, #tpu.memory_space<any>>) target(%dma_start3A_27 : memref<4096x1024xf32, #tpu.memory_space<vmem>>) target_semaphore(%arg14 : memref<!tpu.dma_semaphore, #tpu.memory_space<semaphore_mem>>)
    } else {
    }
    %get3A = arith.index_cast %arg0 : i32 to index
    %get3A_2 = memref.load %arg3[%get3A] : memref<40xi32, #tpu.memory_space<smem>>
    %eq3A_3 = arith.constant 1 : i32
    %eq3A_4 = arith.cmpi eq, %get3A_2, %eq3A_3 : i32
    %convert_element_type3A_5 = arith.extui %eq3A_4 : i1 to i32
    %cond3A_6 = arith.constant 0 : i32
    %cond3A_7 = arith.cmpi ne, %convert_element_type3A_5, %cond3A_6 : i32
    scf.if %cond3A_7 {
      %get3A_22 = arith.index_cast %arg0 : i32 to index
      %get3A_23 = memref.load %arg1[%get3A_22] : memref<40xi32, #tpu.memory_space<smem>>
      %get3A_24 = arith.index_cast %arg0 : i32 to index
      %get3A_25 = memref.load %arg4[%get3A_24] : memref<40xi32, #tpu.memory_space<smem>>
      %dma_wait3A = arith.constant 0 : i32
      %dma_wait3A_26 = arith.constant 0 : i32
      %dma_wait3A_27 = tpu.memref_slice %arg12[%get3A_25, %dma_wait3A, %dma_wait3A_26] : memref<2x4096x1024xf32, #tpu.memory_space<vmem>> -> memref<1x4096x1024xf32, #tpu.memory_space<vmem>>
      %dma_wait3A_28 = tpu.memref_squeeze %dma_wait3A_27 : memref<1x4096x1024xf32, #tpu.memory_space<vmem>> -> memref<4096x1024xf32, #tpu.memory_space<vmem>>
      %dma_wait3A_29 = arith.constant 0 : i32
      %dma_wait3A_30 = arith.constant 0 : i32
      %dma_wait3A_31 = tpu.memref_slice %arg8[%get3A_23, %dma_wait3A_29, %dma_wait3A_30] : memref<8x4096x1024xf32, #tpu.memory_space<any>> -> memref<1x4096x1024xf32, #tpu.memory_space<any>>
      %dma_wait3A_32 = tpu.memref_squeeze %dma_wait3A_31 : memref<1x4096x1024xf32, #tpu.memory_space<any>> -> memref<4096x1024xf32, #tpu.memory_space<any>>
      tpu.wait_dma2 semaphore(%arg14 : memref<!tpu.dma_semaphore, #tpu.memory_space<semaphore_mem>>) src(%dma_wait3A_32 : memref<4096x1024xf32, #tpu.memory_space<any>>) dst(%dma_wait3A_28 : memref<4096x1024xf32, #tpu.memory_space<vmem>>)
      %get3A_33 = arith.index_cast %arg0 : i32 to index
      %get3A_34 = memref.load %arg1[%get3A_33] : memref<40xi32, #tpu.memory_space<smem>>
      %dma_start3A = arith.constant 0 : i32
      %dma_start3A_35 = arith.constant 0 : i32
      %dma_start3A_36 = tpu.memref_slice %arg9[%get3A_34, %dma_start3A, %dma_start3A_35] : memref<8x1024x4096xf32, #tpu.memory_space<any>> -> memref<1x1024x4096xf32, #tpu.memory_space<any>>
      %dma_start3A_37 = tpu.memref_squeeze %dma_start3A_36 : memref<1x1024x4096xf32, #tpu.memory_space<any>> -> memref<1024x4096xf32, #tpu.memory_space<any>>
      tpu.enqueue_dma source(%dma_start3A_37 : memref<1024x4096xf32, #tpu.memory_space<any>>) target(%arg13 : memref<1024x4096xf32, #tpu.memory_space<vmem>>) target_semaphore(%arg15 : memref<!tpu.dma_semaphore, #tpu.memory_space<semaphore_mem>>)
    } else {
    }
    %get3A_8 = arith.index_cast %arg0 : i32 to index
    %get3A_9 = memref.load %arg5[%get3A_8] : memref<40xi32, #tpu.memory_space<smem>>
    %eq3A_10 = arith.constant 1 : i32
    %eq3A_11 = arith.cmpi eq, %get3A_9, %eq3A_10 : i32
    %convert_element_type3A_12 = arith.extui %eq3A_11 : i1 to i32
    %cond3A_13 = arith.constant 0 : i32
    %cond3A_14 = arith.cmpi ne, %convert_element_type3A_12, %cond3A_13 : i32
    scf.if %cond3A_14 {
      %get3A_22 = arith.index_cast %arg0 : i32 to index
      %get3A_23 = memref.load %arg6[%get3A_22] : memref<40xi32, #tpu.memory_space<smem>>
      %get3A_24 = arith.index_cast %arg0 : i32 to index
      %get3A_25 = memref.load %arg4[%get3A_24] : memref<40xi32, #tpu.memory_space<smem>>
      %sub3A = arith.constant 1 : i32
      %sub3A_26 = arith.subi %sub3A, %get3A_25 : i32
      %dma_start3A = arith.constant 0 : i32
      %dma_start3A_27 = arith.constant 0 : i32
      %dma_start3A_28 = tpu.memref_slice %arg12[%sub3A_26, %dma_start3A, %dma_start3A_27] : memref<2x4096x1024xf32, #tpu.memory_space<vmem>> -> memref<1x4096x1024xf32, #tpu.memory_space<vmem>>
      %dma_start3A_29 = tpu.memref_squeeze %dma_start3A_28 : memref<1x4096x1024xf32, #tpu.memory_space<vmem>> -> memref<4096x1024xf32, #tpu.memory_space<vmem>>
      %dma_start3A_30 = arith.constant 0 : i32
      %dma_start3A_31 = arith.constant 0 : i32
      %dma_start3A_32 = tpu.memref_slice %arg8[%get3A_23, %dma_start3A_30, %dma_start3A_31] : memref<8x4096x1024xf32, #tpu.memory_space<any>> -> memref<1x4096x1024xf32, #tpu.memory_space<any>>
      %dma_start3A_33 = tpu.memref_squeeze %dma_start3A_32 : memref<1x4096x1024xf32, #tpu.memory_space<any>> -> memref<4096x1024xf32, #tpu.memory_space<any>>
      tpu.enqueue_dma source(%dma_start3A_33 : memref<4096x1024xf32, #tpu.memory_space<any>>) target(%dma_start3A_29 : memref<4096x1024xf32, #tpu.memory_space<vmem>>) target_semaphore(%arg14 : memref<!tpu.dma_semaphore, #tpu.memory_space<semaphore_mem>>)
    } else {
    }
    %get3A_15 = arith.index_cast %arg0 : i32 to index
    %get3A_16 = memref.load %arg2[%get3A_15] : memref<40xi32, #tpu.memory_space<smem>>
    %eq3A_17 = arith.constant 1 : i32
    %eq3A_18 = arith.cmpi eq, %get3A_16, %eq3A_17 : i32
    %convert_element_type3A_19 = arith.extui %eq3A_18 : i1 to i32
    %cond3A_20 = arith.constant 0 : i32
    %cond3A_21 = arith.cmpi ne, %convert_element_type3A_19, %cond3A_20 : i32
    scf.if %cond3A_21 {
      %get3A_22 = arith.constant 0 : index
      %get3A_23 = arith.constant 0 : index
      %get3A_24 = vector.load %arg7[%get3A_22, %get3A_23] : memref<128x1024xf32, #tpu.memory_space<vmem>>, vector<128x1024xf32>
      %get3A_25 = arith.index_cast %arg0 : i32 to index
      %get3A_26 = memref.load %arg4[%get3A_25] : memref<40xi32, #tpu.memory_space<smem>>
      %get3A_27 = arith.index_cast %get3A_26 : i32 to index
      %get3A_28 = arith.constant 0 : index
      %get3A_29 = arith.constant 0 : index
      %get3A_30 = vector.load %arg12[%get3A_27, %get3A_28, %get3A_29] : memref<2x4096x1024xf32, #tpu.memory_space<vmem>>, vector<1x512x1024xf32>
      %get3A_31 = vector.shape_cast %get3A_30 : vector<1x512x1024xf32> to vector<512x1024xf32>
      %dot_general3A = arith.constant dense<0.000000e+00> : vector<128x512xf32>
      %dot_general3A_32 = tpu.matmul %get3A_24, %get3A_31, %dot_general3A {dimension_numbers = #tpu.dot_dimension_numbers<[1], [1], [0], [0], [0, 0, 1, 0], [], []>, transpose_lhs_hint = false} : vector<128x1024xf32>, vector<512x1024xf32>, vector<128x512xf32> -> vector<128x512xf32>
      %max3A = arith.constant 0.000000e+00 : f32
      %max3A_33 = vector.broadcast %max3A : f32 to vector<128x512xf32>
      %max3A_34 = arith.maximumf %dot_general3A_32, %max3A_33 : vector<128x512xf32>
      %square3A = arith.mulf %max3A_34, %max3A_34 : vector<128x512xf32>
      %swap3A = arith.constant 0 : index
      %swap3A_35 = arith.constant 0 : index
      %swap3A_36 = vector.load %arg11[%swap3A, %swap3A_35] : memref<128x4096xf32, #tpu.memory_space<vmem>>, vector<128x512xf32>
      tpu.vector_store %arg11[%swap3A, %swap3A_35], %square3A {strides = array<i32>} : memref<128x4096xf32, #tpu.memory_space<vmem>>, vector<128x512xf32>,
      %get3A_37 = arith.index_cast %get3A_26 : i32 to index
      %get3A_38 = arith.constant 512 : index
      %get3A_39 = arith.constant 0 : index
      %get3A_40 = vector.load %arg12[%get3A_37, %get3A_38, %get3A_39] : memref<2x4096x1024xf32, #tpu.memory_space<vmem>>, vector<1x512x1024xf32>
      %get3A_41 = vector.shape_cast %get3A_40 : vector<1x512x1024xf32> to vector<512x1024xf32>
      %dot_general3A_42 = arith.constant dense<0.000000e+00> : vector<128x512xf32>
      %dot_general3A_43 = tpu.matmul %get3A_24, %get3A_41, %dot_general3A_42 {dimension_numbers = #tpu.dot_dimension_numbers<[1], [1], [0], [0], [0, 0, 1, 0], [], []>, transpose_lhs_hint = false} : vector<128x1024xf32>, vector<512x1024xf32>, vector<128x512xf32> -> vector<128x512xf32>
      %max3A_44 = arith.constant 0.000000e+00 : f32
      %max3A_45 = vector.broadcast %max3A_44 : f32 to vector<128x512xf32>
      %max3A_46 = arith.maximumf %dot_general3A_43, %max3A_45 : vector<128x512xf32>
      %square3A_47 = arith.mulf %max3A_46, %max3A_46 : vector<128x512xf32>
      %swap3A_48 = arith.constant 0 : index
      %swap3A_49 = arith.constant 512 : index
      %swap3A_50 = vector.load %arg11[%swap3A_48, %swap3A_49] : memref<128x4096xf32, #tpu.memory_space<vmem>>, vector<128x512xf32>
      tpu.vector_store %arg11[%swap3A_48, %swap3A_49], %square3A_47 {strides = array<i32>} : memref<128x4096xf32, #tpu.memory_space<vmem>>, vector<128x512xf32>,
      %get3A_51 = arith.index_cast %get3A_26 : i32 to index
      %get3A_52 = arith.constant 1024 : index
      %get3A_53 = arith.constant 0 : index
      %get3A_54 = vector.load %arg12[%get3A_51, %get3A_52, %get3A_53] : memref<2x4096x1024xf32, #tpu.memory_space<vmem>>, vector<1x512x1024xf32>
      %get3A_55 = vector.shape_cast %get3A_54 : vector<1x512x1024xf32> to vector<512x1024xf32>
      %dot_general3A_56 = arith.constant dense<0.000000e+00> : vector<128x512xf32>
      %dot_general3A_57 = tpu.matmul %get3A_24, %get3A_55, %dot_general3A_56 {dimension_numbers = #tpu.dot_dimension_numbers<[1], [1], [0], [0], [0, 0, 1, 0], [], []>, transpose_lhs_hint = false} : vector<128x1024xf32>, vector<512x1024xf32>, vector<128x512xf32> -> vector<128x512xf32>
      %max3A_58 = arith.constant 0.000000e+00 : f32
      %max3A_59 = vector.broadcast %max3A_58 : f32 to vector<128x512xf32>
      %max3A_60 = arith.maximumf %dot_general3A_57, %max3A_59 : vector<128x512xf32>
      %square3A_61 = arith.mulf %max3A_60, %max3A_60 : vector<128x512xf32>
      %swap3A_62 = arith.constant 0 : index
      %swap3A_63 = arith.constant 1024 : index
      %swap3A_64 = vector.load %arg11[%swap3A_62, %swap3A_63] : memref<128x4096xf32, #tpu.memory_space<vmem>>, vector<128x512xf32>
      tpu.vector_store %arg11[%swap3A_62, %swap3A_63], %square3A_61 {strides = array<i32>} : memref<128x4096xf32, #tpu.memory_space<vmem>>, vector<128x512xf32>,
      %get3A_65 = arith.index_cast %get3A_26 : i32 to index
      %get3A_66 = arith.constant 1536 : index
      %get3A_67 = arith.constant 0 : index
      %get3A_68 = vector.load %arg12[%get3A_65, %get3A_66, %get3A_67] : memref<2x4096x1024xf32, #tpu.memory_space<vmem>>, vector<1x512x1024xf32>
      %get3A_69 = vector.shape_cast %get3A_68 : vector<1x512x1024xf32> to vector<512x1024xf32>
      %dot_general3A_70 = arith.constant dense<0.000000e+00> : vector<128x512xf32>
      %dot_general3A_71 = tpu.matmul %get3A_24, %get3A_69, %dot_general3A_70 {dimension_numbers = #tpu.dot_dimension_numbers<[1], [1], [0], [0], [0, 0, 1, 0], [], []>, transpose_lhs_hint = false} : vector<128x1024xf32>, vector<512x1024xf32>, vector<128x512xf32> -> vector<128x512xf32>
      %max3A_72 = arith.constant 0.000000e+00 : f32
      %max3A_73 = vector.broadcast %max3A_72 : f32 to vector<128x512xf32>
      %max3A_74 = arith.maximumf %dot_general3A_71, %max3A_73 : vector<128x512xf32>
      %square3A_75 = arith.mulf %max3A_74, %max3A_74 : vector<128x512xf32>
      %swap3A_76 = arith.constant 0 : index
      %swap3A_77 = arith.constant 1536 : index
      %swap3A_78 = vector.load %arg11[%swap3A_76, %swap3A_77] : memref<128x4096xf32, #tpu.memory_space<vmem>>, vector<128x512xf32>
      tpu.vector_store %arg11[%swap3A_76, %swap3A_77], %square3A_75 {strides = array<i32>} : memref<128x4096xf32, #tpu.memory_space<vmem>>, vector<128x512xf32>,
      %get3A_79 = arith.index_cast %get3A_26 : i32 to index
      %get3A_80 = arith.constant 2048 : index
      %get3A_81 = arith.constant 0 : index
      %get3A_82 = vector.load %arg12[%get3A_79, %get3A_80, %get3A_81] : memref<2x4096x1024xf32, #tpu.memory_space<vmem>>, vector<1x512x1024xf32>
      %get3A_83 = vector.shape_cast %get3A_82 : vector<1x512x1024xf32> to vector<512x1024xf32>
      %dot_general3A_84 = arith.constant dense<0.000000e+00> : vector<128x512xf32>
      %dot_general3A_85 = tpu.matmul %get3A_24, %get3A_83, %dot_general3A_84 {dimension_numbers = #tpu.dot_dimension_numbers<[1], [1], [0], [0], [0, 0, 1, 0], [], []>, transpose_lhs_hint = false} : vector<128x1024xf32>, vector<512x1024xf32>, vector<128x512xf32> -> vector<128x512xf32>
      %max3A_86 = arith.constant 0.000000e+00 : f32
      %max3A_87 = vector.broadcast %max3A_86 : f32 to vector<128x512xf32>
      %max3A_88 = arith.maximumf %dot_general3A_85, %max3A_87 : vector<128x512xf32>
      %square3A_89 = arith.mulf %max3A_88, %max3A_88 : vector<128x512xf32>
      %swap3A_90 = arith.constant 0 : index
      %swap3A_91 = arith.constant 2048 : index
      %swap3A_92 = vector.load %arg11[%swap3A_90, %swap3A_91] : memref<128x4096xf32, #tpu.memory_space<vmem>>, vector<128x512xf32>
      tpu.vector_store %arg11[%swap3A_90, %swap3A_91], %square3A_89 {strides = array<i32>} : memref<128x4096xf32, #tpu.memory_space<vmem>>, vector<128x512xf32>,
      %get3A_93 = arith.index_cast %get3A_26 : i32 to index
      %get3A_94 = arith.constant 2560 : index
      %get3A_95 = arith.constant 0 : index
      %get3A_96 = vector.load %arg12[%get3A_93, %get3A_94, %get3A_95] : memref<2x4096x1024xf32, #tpu.memory_space<vmem>>, vector<1x512x1024xf32>
      %get3A_97 = vector.shape_cast %get3A_96 : vector<1x512x1024xf32> to vector<512x1024xf32>
      %dot_general3A_98 = arith.constant dense<0.000000e+00> : vector<128x512xf32>
      %dot_general3A_99 = tpu.matmul %get3A_24, %get3A_97, %dot_general3A_98 {dimension_numbers = #tpu.dot_dimension_numbers<[1], [1], [0], [0], [0, 0, 1, 0], [], []>, transpose_lhs_hint = false} : vector<128x1024xf32>, vector<512x1024xf32>, vector<128x512xf32> -> vector<128x512xf32>
      %max3A_100 = arith.constant 0.000000e+00 : f32
      %max3A_101 = vector.broadcast %max3A_100 : f32 to vector<128x512xf32>
      %max3A_102 = arith.maximumf %dot_general3A_99, %max3A_101 : vector<128x512xf32>
      %square3A_103 = arith.mulf %max3A_102, %max3A_102 : vector<128x512xf32>
      %swap3A_104 = arith.constant 0 : index
      %swap3A_105 = arith.constant 2560 : index
      %swap3A_106 = vector.load %arg11[%swap3A_104, %swap3A_105] : memref<128x4096xf32, #tpu.memory_space<vmem>>, vector<128x512xf32>
      tpu.vector_store %arg11[%swap3A_104, %swap3A_105], %square3A_103 {strides = array<i32>} : memref<128x4096xf32, #tpu.memory_space<vmem>>, vector<128x512xf32>,
      %get3A_107 = arith.index_cast %get3A_26 : i32 to index
      %get3A_108 = arith.constant 3072 : index
      %get3A_109 = arith.constant 0 : index
      %get3A_110 = vector.load %arg12[%get3A_107, %get3A_108, %get3A_109] : memref<2x4096x1024xf32, #tpu.memory_space<vmem>>, vector<1x512x1024xf32>
      %get3A_111 = vector.shape_cast %get3A_110 : vector<1x512x1024xf32> to vector<512x1024xf32>
      %dot_general3A_112 = arith.constant dense<0.000000e+00> : vector<128x512xf32>
      %dot_general3A_113 = tpu.matmul %get3A_24, %get3A_111, %dot_general3A_112 {dimension_numbers = #tpu.dot_dimension_numbers<[1], [1], [0], [0], [0, 0, 1, 0], [], []>, transpose_lhs_hint = false} : vector<128x1024xf32>, vector<512x1024xf32>, vector<128x512xf32> -> vector<128x512xf32>
      %max3A_114 = arith.constant 0.000000e+00 : f32
      %max3A_115 = vector.broadcast %max3A_114 : f32 to vector<128x512xf32>
      %max3A_116 = arith.maximumf %dot_general3A_113, %max3A_115 : vector<128x512xf32>
      %square3A_117 = arith.mulf %max3A_116, %max3A_116 : vector<128x512xf32>
      %swap3A_118 = arith.constant 0 : index
      %swap3A_119 = arith.constant 3072 : index
      %swap3A_120 = vector.load %arg11[%swap3A_118, %swap3A_119] : memref<128x4096xf32, #tpu.memory_space<vmem>>, vector<128x512xf32>
      tpu.vector_store %arg11[%swap3A_118, %swap3A_119], %square3A_117 {strides = array<i32>} : memref<128x4096xf32, #tpu.memory_space<vmem>>, vector<128x512xf32>,
      %get3A_121 = arith.index_cast %get3A_26 : i32 to index
      %get3A_122 = arith.constant 3584 : index
      %get3A_123 = arith.constant 0 : index
      %get3A_124 = vector.load %arg12[%get3A_121, %get3A_122, %get3A_123] : memref<2x4096x1024xf32, #tpu.memory_space<vmem>>, vector<1x512x1024xf32>
      %get3A_125 = vector.shape_cast %get3A_124 : vector<1x512x1024xf32> to vector<512x1024xf32>
      %dot_general3A_126 = arith.constant dense<0.000000e+00> : vector<128x512xf32>
      %dot_general3A_127 = tpu.matmul %get3A_24, %get3A_125, %dot_general3A_126 {dimension_numbers = #tpu.dot_dimension_numbers<[1], [1], [0], [0], [0, 0, 1, 0], [], []>, transpose_lhs_hint = false} : vector<128x1024xf32>, vector<512x1024xf32>, vector<128x512xf32> -> vector<128x512xf32>
      %max3A_128 = arith.constant 0.000000e+00 : f32
      %max3A_129 = vector.broadcast %max3A_128 : f32 to vector<128x512xf32>
      %max3A_130 = arith.maximumf %dot_general3A_127, %max3A_129 : vector<128x512xf32>
      %square3A_131 = arith.mulf %max3A_130, %max3A_130 : vector<128x512xf32>
      %swap3A_132 = arith.constant 0 : index
      %swap3A_133 = arith.constant 3584 : index
      %swap3A_134 = vector.load %arg11[%swap3A_132, %swap3A_133] : memref<128x4096xf32, #tpu.memory_space<vmem>>, vector<128x512xf32>
      tpu.vector_store %arg11[%swap3A_132, %swap3A_133], %square3A_131 {strides = array<i32>} : memref<128x4096xf32, #tpu.memory_space<vmem>>, vector<128x512xf32>,
      %get3A_135 = arith.index_cast %arg0 : i32 to index
      %get3A_136 = memref.load %arg3[%get3A_135] : memref<40xi32, #tpu.memory_space<smem>>
      %eq3A_137 = arith.constant 1 : i32
      %eq3A_138 = arith.cmpi eq, %get3A_136, %eq3A_137 : i32
      %convert_element_type3A_139 = arith.extui %eq3A_138 : i1 to i32
      %cond3A_140 = arith.constant 0 : i32
      %cond3A_141 = arith.cmpi ne, %convert_element_type3A_139, %cond3A_140 : i32
      scf.if %cond3A_141 {
        %get3A_153 = arith.index_cast %arg0 : i32 to index
        %get3A_154 = memref.load %arg1[%get3A_153] : memref<40xi32, #tpu.memory_space<smem>>
        %dma_wait3A = arith.constant 0 : i32
        %dma_wait3A_155 = arith.constant 0 : i32
        %dma_wait3A_156 = tpu.memref_slice %arg9[%get3A_154, %dma_wait3A, %dma_wait3A_155] : memref<8x1024x4096xf32, #tpu.memory_space<any>> -> memref<1x1024x4096xf32, #tpu.memory_space<any>>
        %dma_wait3A_157 = tpu.memref_squeeze %dma_wait3A_156 : memref<1x1024x4096xf32, #tpu.memory_space<any>> -> memref<1024x4096xf32, #tpu.memory_space<any>>
        tpu.wait_dma2 semaphore(%arg15 : memref<!tpu.dma_semaphore, #tpu.memory_space<semaphore_mem>>) src(%dma_wait3A_157 : memref<1024x4096xf32, #tpu.memory_space<any>>) dst(%arg13 : memref<1024x4096xf32, #tpu.memory_space<vmem>>)
      } else {
      }
      %get3A_142 = arith.constant 0 : index
      %get3A_143 = arith.constant 0 : index
      %get3A_144 = vector.load %arg11[%get3A_142, %get3A_143] : memref<128x4096xf32, #tpu.memory_space<vmem>>, vector<128x4096xf32>
      %get3A_145 = arith.constant 0 : index
      %get3A_146 = arith.constant 0 : index
      %get3A_147 = vector.load %arg13[%get3A_145, %get3A_146] : memref<1024x4096xf32, #tpu.memory_space<vmem>>, vector<1024x4096xf32>
      %dot_general3A_148 = arith.constant dense<0.000000e+00> : vector<128x1024xf32>
      %dot_general3A_149 = tpu.matmul %get3A_144, %get3A_147, %dot_general3A_148 {dimension_numbers = #tpu.dot_dimension_numbers<[1], [1], [0], [0], [0, 0, 1, 0], [], []>, transpose_lhs_hint = false} : vector<128x4096xf32>, vector<1024x4096xf32>, vector<128x1024xf32> -> vector<128x1024xf32>
      %swap3A_150 = arith.constant 0 : index
      %swap3A_151 = arith.constant 0 : index
      %swap3A_152 = vector.load %arg10[%swap3A_150, %swap3A_151] : memref<128x1024xf32, #tpu.memory_space<vmem>>, vector<128x1024xf32>
      tpu.vector_store %arg10[%swap3A_150, %swap3A_151], %dot_general3A_149 {strides = array<i32>} : memref<128x1024xf32, #tpu.memory_space<vmem>>, vector<128x1024xf32>,
    } else {
    }
    return
  }
  func.func @transform_0(%arg0: i32, %arg1: memref<40xi32, #tpu.memory_space<smem>>, %arg2: memref<40xi32, #tpu.memory_space<smem>>, %arg3: memref<40xi32, #tpu.memory_space<smem>>, %arg4: memref<40xi32, #tpu.memory_space<smem>>, %arg5: memref<40xi32, #tpu.memory_space<smem>>, %arg6: memref<40xi32, #tpu.memory_space<smem>>) -> (i32, i32) {
    %c0_i32 = arith.constant 0 : i32
    %c0_i32_0 = arith.constant 0 : i32
    return %arg0, %c0_i32 : i32, i32
  }
  func.func @transform_3(%arg0: i32, %arg1: memref<40xi32, #tpu.memory_space<smem>>, %arg2: memref<40xi32, #tpu.memory_space<smem>>, %arg3: memref<40xi32, #tpu.memory_space<smem>>, %arg4: memref<40xi32, #tpu.memory_space<smem>>, %arg5: memref<40xi32, #tpu.memory_space<smem>>, %arg6: memref<40xi32, #tpu.memory_space<smem>>) -> (i32, i32) {
    %c0_i32 = arith.constant 0 : i32
    %c0_i32_0 = arith.constant 0 : i32
    return %arg0, %c0_i32 : i32, i32
  }
}

</mosaic_0001>

<sc_bundles>
// kernel: kernel.5.cloned.1.call-start
scs
__scs_entry_jumppad:
0x0: {  	(pc) =	sbr.rel $0x88, $3  }
0x1: {  	(tag) =	ssettag $0x0;
	lr =	simm.s32 $0x1  }
0x2: {  	[smem:$0x3F9D] =	sst lr;
	_ =	strace $0xD0000000  }
0x3: {  	_ = 	snop  }
0x4: {  	_ = 	snop  }
0x5: {  	_ = 	snop  }
0x6: {  	_ = 	snop  }
0x7: {  	_ = 	snop  }
__scs_overlays_trampoline_lowered:
0x8: {  	[smem:$0x3FAC] =	sst s0  }
0x9: {  	[smem:$0x3FAD] =	sst s1  }
0xa: {  	[smem:$0x3FAE] =	sst s2  }
0xb: {  	[smem:$0x3FAF] =	sst s3  }
0xc: {  	[smem:$0x3FB0] =	sst s4  }
0xd: {  	[smem:$0x3FB1] =	sst s5  }
0xe: {  	[smem:$0x3FB2] =	sst s6  }
0xf: {  	[smem:$0x3FB3] =	sst s7  }
0x10: {  	[smem:$0x3FB4] =	sst s8  }
0x11: {  	[smem:$0x3FB5] =	sst s9;
	s0 =	simm.s32 @!p0 $0x0  }
0x12: {  	s1 =	sld [smem:$0x3F9B];
	s0 =	simm.s32 @p0 $0x1  }
0x13: {  	[smem:$0x3FB6] =	sst s0;
	s0 =	simm.s32 @!p1 $0x0  }
0x14: {  	s2 =	sld [smem:$0x3F9A];
	s0 =	simm.s32 @p1 $0x1  }
0x15: {  	[smem:$0x3FB7] =	sst s0;
	s0 =	simm.s32 @!p2 $0x0  }
0x16: {  	s3 =	sld [smem:$0x3FDB];
	s0 =	simm.s32 @p2 $0x1  }
0x17: {  	s4 =	simm.s32 $0x1BF5;
	[smem:$0x3FB9] =	sst s0  }
0x18: {  	s0 =	sld [smem:$0x3F9C];
	_ =	swait.ge [sflag:s4], $0x0  }
0x19: {  	s7 =	sld [smem:$0x3F9D]  }
0x1a: {  	s8 =	sadd.s32 $0xFFFFE003, lr  }
0x1b: {  	s9 =	sadd.s32 $0xFFFFFEF7, lr;
	s5 =	simm.s32 $0xFFFFFFFF;
	p2 =	slt.u32 s8, $0xFFFFF086  }
0x1c: {  	p1 =	slt.u32 s9, $0xF7A;
	s5 =	simm.s32 @!p2 $0x0  }
0x1d: {  	s5 =	simm.s32 @p1 $0x1;
	p0 =	seq.s32 s7, s2  }
0x1e: {  	s7 =	smul.u32 @!p0 $0xF7A, s2;
	p2 =	seq.s32 @!p0 s5, $0x0  }
0x1f: {  	s9 =	smul.u32 $0xF7A, s1;
	s8 =	simm.s32 @!p0 $0x1BF5;
	p2 =	por !p2, p0  }
0x20: {  	[sflag:s8] =	ssyncset.s32 @!p0 $0xFFFFF086;
	s6 =	sadd.s32 @!p0 s3, s7;
	s7 =	simm.s32 @!p0 $0x108  }
0x21: {  	s3 =	sadd.s32 s3, s9;
	s6 =	sadd.s32 @!p0 $0x88, s6;
	s7 =	simm.s32 @p2 $0x1082  }
0x22: {  	[simem:s7], [sflag:s8] =	dma.local @!p0 [hbm:s6], $0xF7A  }
0x23: {  	s9 =	sor.u32 $0xD0000000, s2;
	s6 =	simm.s32 $0x108;
	_ =	swait.ge @!p0 [sflag:s8], $0x0  }
0x24: {  	s3 =	sadd.s32 $0x88, s3;
	s6 =	simm.s32 @!p1 $0x1082;
	[sflag:s4] =	ssyncset.s32 $0xFFFFF086  }
0x25: {  	[simem:s6], [sflag:s4] =	dma.local [hbm:s3], $0xF7A  }
0x26: {  	[smem:$0x3F9D] =	sst s1;
	(tag) =	ssettag s2;
	_ =	strace s9  }
0x27: {  	s1 =	sld [smem:$0x3FAD]  }
0x28: {  	s2 =	sld [smem:$0x3FAE]  }
0x29: {  	s4 =	sld [smem:$0x3FB0]  }
0x2a: {  	p0 =	seq.s32 s5, $0x0;
	s5 =	sld [smem:$0x3FB1]  }
0x2b: {  	s6 =	sld [smem:$0x3FB2]  }
0x2c: {  	s7 =	sld [smem:$0x3FB3]  }
0x2d: {  	s3 =	simm.s32 $0x108;
	s8 =	sld [smem:$0x3FB4]  }
0x2e: {  	s3 =	simm.s32 @!p0 $0x1082;
	s9 =	sld [smem:$0x3FB5]  }
0x2f: {  	lr =	sadd.s32 s0, s3;
	s0 =	sld [smem:$0x3FAC]  }
0x30: {  	s3 =	sld [smem:$0x3FAF]  }
0x31: {  	[smem:$0x3FB8] =	sst s10  }
0x32: {  	s10 =	sld [smem:$0x3FB6];
	_ =	sdelay $0x3  }
0x33: {  	p0 =	seq.s32 s10, $0x1;
	s10 =	sld [smem:$0x3FB8];
	_ =	sdelay $0x3  }
0x34: {  	[smem:$0x3FB8] =	sst s10  }
0x35: {  	s10 =	sld [smem:$0x3FB7];
	_ =	sdelay $0x3  }
0x36: {  	p1 =	seq.s32 s10, $0x1;
	s10 =	sld [smem:$0x3FB8];
	_ =	sdelay $0x3  }
0x37: {  	[smem:$0x3FB8] =	sst s10  }
0x38: {  	s10 =	sld [smem:$0x3FB9]  }
0x39: {  	_ = 	snop;
	(pc) =	sbr.ind lr, $3  }
0x3a: {  	_ = 	snop  }
0x3b: {  	_ = 	snop  }
0x3c: {  	p2 =	seq.s32 s10, $0x1;
	s10 =	sld [smem:$0x3FB8]  }
0x3d: {  	_ =	shalt  }
0x3e: {  	_ =	shalt  }
0x3f: {  	_ =	shalt  }
0x40: {  	_ =	shalt  }
0x41: {  	_ =	shalt  }
0x42: {  	_ =	shalt  }
0x43: {  	_ =	shalt  }
0x44: {  	_ =	shalt  }
0x45: {  	_ =	shalt  }
0x46: {  	_ =	shalt  }
0x47: {  	_ =	shalt  }
0x48: {  	_ =	shalt  }
0x49: {  	_ =	shalt  }
0x4a: {  	_ =	shalt  }
0x4b: {  	_ =	shalt  }
0x4c: {  	_ =	shalt  }
0x4d: {  	_ =	shalt  }
0x4e: {  	_ =	shalt  }
0x4f: {  	_ =	shalt  }
0x50: {  	_ =	shalt  }
0x51: {  	_ =	shalt  }
0x52: {  	_ =	shalt  }
0x53: {  	_ =	shalt  }
0x54: {  	_ =	shalt  }
0x55: {  	_ =	shalt  }
0x56: {  	_ =	shalt  }
0x57: {  	_ =	shalt  }
0x58: {  	_ =	shalt  }
0x59: {  	_ =	shalt  }
0x5a: {  	_ =	shalt  }
0x5b: {  	_ =	shalt  }
0x5c: {  	_ =	shalt  }
0x5d: {  	_ =	shalt  }
0x5e: {  	_ =	shalt  }
0x5f: {  	_ =	shalt  }
0x60: {  	_ =	shalt  }
0x61: {  	_ =	shalt  }
0x62: {  	_ =	shalt  }
0x63: {  	_ =	shalt  }
0x64: {  	_ =	shalt  }
0x65: {  	_ =	shalt  }
0x66: {  	_ =	shalt  }
0x67: {  	_ =	shalt  }
0x68: {  	_ =	shalt  }
0x69: {  	_ =	shalt  }
0x6a: {  	_ =	shalt  }
0x6b: {  	_ =	shalt  }
0x6c: {  	_ =	shalt  }
0x6d: {  	_ =	shalt  }
0x6e: {  	_ =	shalt  }
0x6f: {  	_ =	shalt  }
0x70: {  	_ =	shalt  }
0x71: {  	_ =	shalt  }
0x72: {  	_ =	shalt  }
0x73: {  	_ =	shalt  }
0x74: {  	_ =	shalt  }
0x75: {  	_ =	shalt  }
0x76: {  	_ =	shalt  }
0x77: {  	_ =	shalt  }
0x78: {  	_ =	shalt  }
0x79: {  	_ =	shalt  }
0x7a: {  	_ =	shalt  }
0x7b: {  	_ =	shalt  }
0x7c: {  	_ =	shalt  }
0x7d: {  	_ =	shalt  }
0x7e: {  	_ =	shalt  }
0x7f: {  	_ =	shalt  }
0x80: {  	_ =	shalt  }
0x81: {  	_ =	shalt  }
0x82: {  	_ =	shalt  }
0x83: {  	_ =	shalt  }
0x84: {  	_ =	shalt  }
0x85: {  	_ =	shalt  }
0x86: {  	_ =	shalt  }
0x87: {  	_ =	shalt  }
.Lfunc_end0:
.L_simem_size_0:
called_computation_lowered:
.L_overlay_start_0:
0x88: {  	s2 =	sld [smem:$0x3FD9]  }
0x89: {  	s3 =	sld [smem:$0x3FFE];
	_ =	sdelay $0x1  }
0x8a: {  	s1 =	srdreg.scid  }
0x8b: {  	s0 =	sand.u32 $0x1, s1  }
0x8c: {  	s17 =	sshll.u32 s0, $0xA;
	s2 =	sadd.s32 s3, s2  }
0x8d: {  	s2 =	sadd.s32 s2, s17  }
0x8e: {  	[smem:$0x3FC4] =	sst s2  }
0x8f: {  	_ = 	snop  }
0x90: {  	s2 =	sld [smem:$0x3FC9];
	(tm) =	ssettm $0x1  }
0x91: {  	s18 =	sld [smem:$0x3FFB];
	_ =	sdelay $0x3  }
0x92: {  	_ =	strace s18  }
0x93: {  	s3 =	sld [smem:$0x3FFC];
	_ =	sdelay $0x3  }
0x94: {  	_ =	strace s3  }
0x95: {  	s3 =	sld [smem:$0x3FFD];
	_ =	sdelay $0x3  }
0x96: {  	_ =	strace s3  }
0x97: {  	_ =	strace $0x8FFFFFFF  }
0x98: {  	s19 =	sld [smem:$0x3FDB];
	_ =	sdelay $0x1  }
0x99: {  	s4 =	simm.s32 $_scs_section_size  }
0x9a: {  	s5 =	simm.s32 $_size__tile_overlayer_lowered;
	s6 =	simm.s32 $_tile_overlayer_lowered  }
0x9b: {  	s22 =	simm.s32 $0x1BFF;
	s21 =	sshll.u32 s6, $0x1;
	s3 =	sadd.s32 s4, s19  }
0x9c: {  	s7 =	simm.s32 $0x0;
	s20 =	sshll.u32 s5, $0x1;
	s5 =	sadd.s32 s21, s3  }
0x9d: {  	[timem:s7], [sflag:s22] =	dma.local [hbm:s5], s20  }
0x9e: {  	_ =	swait.ge [sflag:s22], s20  }
0x9f: {  	s4 =	ssub.s32 $0x0, s20;
	[sflag:s22] =	ssyncset.done $0x0  }
0xa0: {  	[sflag:s22] =	ssyncadd.s32 s4;
	_ =	sdelay $0x1  }
0xa1: {  	s23 =	simm.s32 $0x1B8B  }
0xa2: {  	_ =	swait.ge [sflag:s23], $0x1  }
0xa3: {  	[sflag:s23] =	ssyncset.done $0x0  }
0xa4: {  	s25 =	simm.s32 $0x1B8E;
	s24 =	sld [smem:$0x3FFE];
	[sflag:s23] =	ssyncadd.s32 $0xFFFFFFFF  }
0xa5: {  	s26 =	simm.s32 $execute0_lowered;
	[smem:$0x3FD2] =	sst s25  }
0xa6: {  	s5 =	sshll.u32 s26, $0x1;
	_ =	strace $0x80000046;
	[dreg:$0x1] =	wrdreg $0xFFFFFFFF  }
0xa7: {  	s28 =	simm.s32 $_size_execute0_lowered;
	s3 =	sadd.s32 s3, s5;
	[dreg:$0x0] =	wrdreg $0x0  }
0xa8: {  	s5 =	sshll.u32 s28, $0x1;
	[dreg:$0x2] =	wrdreg s3  }
0xa9: {  	[dreg:$0x3] =	wrdreg s5  }
0xaa: {  	[dreg:$0x4] =	wrdreg $0xC0  }
0xab: {  	_ =	task [dreg:s7], $0x5FFFF  }
0xac: {  	[dreg:$0x1] =	wrdreg $0xFFFFFFFF  }
0xad: {  	[dreg:$0x0] =	wrdreg $0x60  }
0xae: {  	[dreg:$0x2] =	wrdreg s24  }
0xaf: {  	[dreg:$0x3] =	wrdreg s2  }
0xb0: {  	[dreg:$0x4] =	wrdreg $0x9  }
0xb1: {  	_ =	task.clear_ibuf [dreg:s7], $0x5FFFF;
	_ =	strace $0x90000046  }
0xb2: {  	s29 =	simm.s32 $0x9;
	_ =	strace $0x80000048  }
0xb3: {  	_ =	swait.ge [sflag:s29], $0x1  }
0xb4: {  	[sflag:s29] =	ssyncadd.s32 $0xFFFFFFFF  }
0xb5: {  	_ =	strace $0x90000048  }
0xb6: {  	_ =	sfence  }
0xb7: {  	s30 =	sld [smem:$0x0];
	_ =	sdelay $0x2  }
0xb8: {  	s31 =	sshll.u32 s1, $0xD;
	s1 =	sshrl.u32 s1, $0x2  }
0xb9: {  	s3 =	sand.u32 $0x4000, s31;
	s1 =	sadd.s32 s1, s30  }
0xba: {  	s0 =	sor.u32 s3, s0;
	s1 =	sshll.u32 s1, $0x11  }
0xbb: {  	s0 =	sor.u32 s1, s0  }
0xbc: {  	s0 =	sadd.s32 $0x8F2B, s0  }
0xbd: {  	[sflag:s0] =	ssyncadd.remote.s32 $0x1  }
0xbe: {  	_ =	sfence.sel $0xFFFF  }
0xbf: {  	[dreg:$0x0] =	wrdreg $0xFFFFFFFF;
	(pc) =	sbr.abs _section_cstart, $3  }
0xc0: {  	[dreg:$0x1] =	wrdreg $0xFFFFFFFF  }
0xc1: {  	_ =	task.clear_ibuf [dreg:s7], $0x2FFFF;
	_ =	strace $0x9FFFFFFF  }
0xc2: {  	(tm) =	ssettm $0x7FFFFFFF  }
0xc3: {  	_ =	shalt  }
tec
execute0_lowered:
.L_overlay_start_1:
0x0: {  	(tag) =	ssettag $0x1  }
0x1: {  	s0 =	srdreg.scid  }
0x2: {  	s1 =	rddreg [dreg:$0x0];
	s2 =	stileid.u32  }
0x3: {  	s4 =	rddreg [dreg:$0x1];
	s26 =	simm.s32 $0x80;
	s18 =	simm.s32 $0x100  }
0x4: {  	s22 =	simm.s32 $0x1900;
	s23 =	simm.s32 $0x2100;
	s24 =	simm.s32 $0x2900  }
0x5: {  	s25 =	simm.s32 $0x3100;
	s28 =	simm.s32 $0x4100;
	s29 =	simm.s32 $0x4900  }
0x6: {  	s30 =	simm.s32 $0x5100;
	s31 =	simm.s32 $0x5900;
	s10 =	simm.s32 $0x7100  }
0x7: {  	s11 =	simm.s32 $0x7900;
	s12 =	simm.s32 $0x8100;
	s13 =	simm.s32 $0x8900  }
0x8: {  	s14 =	simm.s32 $0x9100;
	s15 =	simm.s32 $0x9900;
	s16 =	simm.s32 $0xA100  }
0x9: {  	s17 =	simm.s32 $0xA900;
	s9 =	simm.s32 $0xB100;
	s19 =	simm.s32 $0xB900  }
0xa: {  	s0 =	sand.u32 $0x1, s0;
	s3 =	sshll.u32 s2, $0x7;
	s2 =	simm.s32 $0x0  }
0xb: {  	s5 =	sshll.u32 s0, $0x6;
	[smem:$0x7FF] =	sst s2;
	s0 =	ssub.s32 $0x2, s0  }
0xc: {  	s5 =	sor.u32 s5, s3;
	_ =	strace $0x80000047;
	s7 =	sshrl.u32 s0, $0x1  }
0xd: {  	[dreg:$0x6] =	wrdreg s26;
	s26 =	simm.s32 $0x3900;
	s3 =	sshrl.u32 s5, $0x3  }
0xe: {  	s5 =	sshll.u32 s5, $0x7;
	s0 =	ssub.s32 s0, s7;
	s6 =	sadd.s32 s3, s1  }
0xf: {  	s3 =	sadd.s32 $0x10400, s1;
	s4 =	sadd.s32 s4, s5;
	s5 =	sadd.s32 $0x10600, s1  }
0x10: {  	v2 =	vlaneseq.u32;
	s7 =	smax.u32 s0, $0x1;
	s8 =	sadd.s32 $0x10200, s6;
	[dreg:$0x5] =	wrdreg s4  }
0x11: {  	vm0 =	vmmov $0xffff;
	v1 =	vshrl.u32 v2, $0x3;
	s6 =	sadd.s32 $0x10000, s6;
	s4 =	sadd.s32 $0x10500, s1;
	[dreg:$0x3] =	wrdreg s8  }
0x12: {  	v0 =	vand.u32 $0x7, v2;
	v2 =	vor.u32 $0x8, v2;
	v1 =	vmul.u32 $0x8, v1;
	[dreg:$0x4] =	wrdreg s6;
	s6 =	sadd.s32 $0x10700, s1;
	s8 =	simm.s32 $0x3  }
.LBB2_1:
0x13: {  	s20 =	rddreg [dreg:$0x3]  }
0x14: {  	[tilespmem:s2], [sflag:$0x3] =	stream.linear.gather [hbm4b:s20+s2], $0x40, $0x38;
	[tilespmem:$0x10100] =	vst v63  }
0x15: {  	_ =	swait.ge [sflag:s8], $0x40  }
0x16: {  	s0 =	rddreg [dreg:$0x4];
	[sflag:s8] =	ssyncset.done $0x0  }
0x17: {  	s21 =	rddreg [dreg:$0x6];
	[sflag:s8] =	ssyncadd.s32 $0xFFFFFFC0  }
0x18: {  	[tilespmem:s21], [sflag:$0x3] =	stream.linear.gather [hbm4b:s0+s2], $0x40, $0x38;
	[tilespmem:$0x10100] =	vst v63  }
0x19: {  	_ =	swait.ge [sflag:s8], $0x40  }
0x1a: {  	[sflag:s8] =	ssyncset.done $0x0  }
0x1b: {  	s1 =	rddreg [dreg:$0x5];
	[sflag:s8] =	ssyncadd.s32 $0xFFFFFFC0  }
0x1c: {  	[tilespmem:s18], [sflag:$0x3] =	stream.linear.gather [hbm4b:s1+s2], $0x10000, $0x38;
	[tilespmem:$0x10100] =	vst v63  }
0x1d: {  	_ =	swait.ge [sflag:s8], $0x10000  }
0x1e: {  	[sflag:s8] =	ssyncset.done $0x0  }
0x1f: {  	[sflag:s8] =	ssyncadd.s32 $0xFFFF0000  }
0x20: {  	v3 =	vld [tilespmem:$0x0];
	_ =	sdelay $0x4  }
0x21: {  	v4 =	vshll.u32 v3, $0x3  }
0x22: {  	v3 =	vand.u32 $0x7, v3;
	v4 =	vand.u32 $0xFFFFFFC0, v4  }
0x23: {  	v3 =	vor.u32 v3, v4  }
0x24: {  	v4 =	vperm.xlane v3, v0;
	_ =	sdelay $0x1  }
0x25: {  	v4 =	vadd.s32 v1, v4;
	_ =	sdelay $0x4  }
0x26: {  	[hbm4b:s3+s2] =	stream.indirect_vreg.scatter [tilespmem:s18], [sflag:$0x1], $0x80, v4, vm0, $0xb8;
	[tilespmem:$0x10100] =	vst v63  }
0x27: {  	s20 =	simm.s32 $0x900;
	v3 =	vperm.xlane v3, v2  }
0x28: {  	[hbm4b:s4+s2] =	stream.indirect_vreg.scatter [tilespmem:s20], [sflag:$0x1], $0x80, v4, vm0, $0xb8;
	[tilespmem:$0x10100] =	vst v63  }
0x29: {  	s21 =	simm.s32 $0x1100;
	v3 =	vadd.s32 v1, v3  }
0x2a: {  	[hbm4b:s5+s2] =	stream.indirect_vreg.scatter [tilespmem:s21], [sflag:$0x1], $0x80, v4, vm0, $0xb8;
	[tilespmem:$0x10100] =	vst v63  }
0x2b: {  	_ = 	snop  }
0x2c: {  	[hbm4b:s6+s2] =	stream.indirect_vreg.scatter [tilespmem:s22], [sflag:$0x1], $0x80, v4, vm0, $0xb8;
	[tilespmem:$0x10100] =	vst v63  }
0x2d: {  	_ = 	snop  }
0x2e: {  	[hbm4b:s3+s2] =	stream.indirect_vreg.scatter [tilespmem:s23], [sflag:$0x1], $0x80, v3, vm0, $0xb8;
	[tilespmem:$0x10100] =	vst v63  }
0x2f: {  	_ = 	snop  }
0x30: {  	[hbm4b:s4+s2] =	stream.indirect_vreg.scatter [tilespmem:s24], [sflag:$0x1], $0x80, v3, vm0, $0xb8;
	[tilespmem:$0x10100] =	vst v63  }
0x31: {  	_ = 	snop  }
0x32: {  	[hbm4b:s5+s2] =	stream.indirect_vreg.scatter [tilespmem:s25], [sflag:$0x1], $0x80, v3, vm0, $0xb8;
	[tilespmem:$0x10100] =	vst v63  }
0x33: {  	_ = 	snop  }
0x34: {  	[hbm4b:s6+s2] =	stream.indirect_vreg.scatter [tilespmem:s26], [sflag:$0x1], $0x80, v3, vm0, $0xb8;
	[tilespmem:$0x10100] =	vst v63  }
0x35: {  	v3 =	vld [tilespmem:$0x10];
	_ =	sdelay $0x4  }
0x36: {  	v57 =	vshll.u32 v3, $0x3  }
0x37: {  	v3 =	vand.u32 $0x7, v3;
	v4 =	vand.u32 $0xFFFFFFC0, v57  }
0x38: {  	v3 =	vor.u32 v3, v4  }
0x39: {  	v4 =	vperm.xlane v3, v0;
	_ =	sdelay $0x1  }
0x3a: {  	v4 =	vadd.s32 v1, v4;
	_ =	sdelay $0x4  }
0x3b: {  	[hbm4b:s3+s2] =	stream.indirect_vreg.scatter [tilespmem:s28], [sflag:$0x1], $0x80, v4, vm0, $0xb8;
	[tilespmem:$0x10100] =	vst v63  }
0x3c: {  	v3 =	vperm.xlane v3, v2  }
0x3d: {  	[hbm4b:s4+s2] =	stream.indirect_vreg.scatter [tilespmem:s29], [sflag:$0x1], $0x80, v4, vm0, $0xb8;
	[tilespmem:$0x10100] =	vst v63  }
0x3e: {  	v3 =	vadd.s32 v1, v3  }
0x3f: {  	[hbm4b:s5+s2] =	stream.indirect_vreg.scatter [tilespmem:s30], [sflag:$0x1], $0x80, v4, vm0, $0xb8;
	[tilespmem:$0x10100] =	vst v63  }
0x40: {  	_ = 	snop  }
0x41: {  	[hbm4b:s6+s2] =	stream.indirect_vreg.scatter [tilespmem:s31], [sflag:$0x1], $0x80, v4, vm0, $0xb8;
	[tilespmem:$0x10100] =	vst v63  }
0x42: {  	s1 =	simm.s32 $0x6100  }
0x43: {  	[hbm4b:s3+s2] =	stream.indirect_vreg.scatter [tilespmem:s1], [sflag:$0x1], $0x80, v3, vm0, $0xb8;
	[tilespmem:$0x10100] =	vst v63  }
0x44: {  	s0 =	simm.s32 $0x6900  }
0x45: {  	[hbm4b:s4+s2] =	stream.indirect_vreg.scatter [tilespmem:s0], [sflag:$0x1], $0x80, v3, vm0, $0xb8;
	[tilespmem:$0x10100] =	vst v63  }
0x46: {  	_ = 	snop  }
0x47: {  	[hbm4b:s5+s2] =	stream.indirect_vreg.scatter [tilespmem:s10], [sflag:$0x1], $0x80, v3, vm0, $0xb8;
	[tilespmem:$0x10100] =	vst v63  }
0x48: {  	_ = 	snop  }
0x49: {  	[hbm4b:s6+s2] =	stream.indirect_vreg.scatter [tilespmem:s11], [sflag:$0x1], $0x80, v3, vm0, $0xb8;
	[tilespmem:$0x10100] =	vst v63  }
0x4a: {  	v3 =	vld [tilespmem:$0x20];
	_ =	sdelay $0x4  }
0x4b: {  	v58 =	vshll.u32 v3, $0x3  }
0x4c: {  	v3 =	vand.u32 $0x7, v3;
	v4 =	vand.u32 $0xFFFFFFC0, v58  }
0x4d: {  	v3 =	vor.u32 v3, v4  }
0x4e: {  	v4 =	vperm.xlane v3, v0;
	_ =	sdelay $0x1  }
0x4f: {  	v4 =	vadd.s32 v1, v4;
	_ =	sdelay $0x4  }
0x50: {  	[hbm4b:s3+s2] =	stream.indirect_vreg.scatter [tilespmem:s12], [sflag:$0x1], $0x80, v4, vm0, $0xb8;
	[tilespmem:$0x10100] =	vst v63  }
0x51: {  	v3 =	vperm.xlane v3, v2  }
0x52: {  	[hbm4b:s4+s2] =	stream.indirect_vreg.scatter [tilespmem:s13], [sflag:$0x1], $0x80, v4, vm0, $0xb8;
	[tilespmem:$0x10100] =	vst v63  }
0x53: {  	v3 =	vadd.s32 v1, v3  }
0x54: {  	[hbm4b:s5+s2] =	stream.indirect_vreg.scatter [tilespmem:s14], [sflag:$0x1], $0x80, v4, vm0, $0xb8;
	[tilespmem:$0x10100] =	vst v63  }
0x55: {  	_ = 	snop  }
0x56: {  	[hbm4b:s6+s2] =	stream.indirect_vreg.scatter [tilespmem:s15], [sflag:$0x1], $0x80, v4, vm0, $0xb8;
	[tilespmem:$0x10100] =	vst v63  }
0x57: {  	_ = 	snop  }
0x58: {  	[hbm4b:s3+s2] =	stream.indirect_vreg.scatter [tilespmem:s16], [sflag:$0x1], $0x80, v3, vm0, $0xb8;
	[tilespmem:$0x10100] =	vst v63  }
0x59: {  	_ = 	snop  }
0x5a: {  	[hbm4b:s4+s2] =	stream.indirect_vreg.scatter [tilespmem:s17], [sflag:$0x1], $0x80, v3, vm0, $0xb8;
	[tilespmem:$0x10100] =	vst v63  }
0x5b: {  	_ = 	snop  }
0x5c: {  	[hbm4b:s5+s2] =	stream.indirect_vreg.scatter [tilespmem:s9], [sflag:$0x1], $0x80, v3, vm0, $0xb8;
	[tilespmem:$0x10100] =	vst v63  }
0x5d: {  	_ = 	snop  }
0x5e: {  	[hbm4b:s6+s2] =	stream.indirect_vreg.scatter [tilespmem:s19], [sflag:$0x1], $0x80, v3, vm0, $0xb8;
	[tilespmem:$0x10100] =	vst v63  }
0x5f: {  	v3 =	vld [tilespmem:$0x30];
	_ =	sdelay $0x4  }
0x60: {  	v59 =	vshll.u32 v3, $0x3  }
0x61: {  	v3 =	vand.u32 $0x7, v3;
	v4 =	vand.u32 $0xFFFFFFC0, v59  }
0x62: {  	v3 =	vor.u32 v3, v4  }
0x63: {  	v4 =	vperm.xlane v3, v0;
	_ =	sdelay $0x1  }
0x64: {  	v4 =	vadd.s32 v1, v4;
	_ =	sdelay $0x3  }
0x65: {  	s0 =	simm.s32 $0xC100  }
0x66: {  	[hbm4b:s3+s2] =	stream.indirect_vreg.scatter [tilespmem:s0], [sflag:$0x1], $0x80, v4, vm0, $0xb8;
	[tilespmem:$0x10100] =	vst v63  }
0x67: {  	v3 =	vperm.xlane v3, v2;
	s0 =	simm.s32 $0xC900  }
0x68: {  	[hbm4b:s4+s2] =	stream.indirect_vreg.scatter [tilespmem:s0], [sflag:$0x1], $0x80, v4, vm0, $0xb8;
	[tilespmem:$0x10100] =	vst v63  }
0x69: {  	v3 =	vadd.s32 v1, v3;
	s0 =	simm.s32 $0xD100  }
0x6a: {  	[hbm4b:s5+s2] =	stream.indirect_vreg.scatter [tilespmem:s0], [sflag:$0x1], $0x80, v4, vm0, $0xb8;
	[tilespmem:$0x10100] =	vst v63  }
0x6b: {  	s0 =	simm.s32 $0xD900  }
0x6c: {  	[hbm4b:s6+s2] =	stream.indirect_vreg.scatter [tilespmem:s0], [sflag:$0x1], $0x80, v4, vm0, $0xb8;
	[tilespmem:$0x10100] =	vst v63  }
0x6d: {  	s0 =	simm.s32 $0xE100  }
0x6e: {  	[hbm4b:s3+s2] =	stream.indirect_vreg.scatter [tilespmem:s0], [sflag:$0x1], $0x80, v3, vm0, $0xb8;
	[tilespmem:$0x10100] =	vst v63  }
0x6f: {  	s0 =	simm.s32 $0xE900  }
0x70: {  	[hbm4b:s4+s2] =	stream.indirect_vreg.scatter [tilespmem:s0], [sflag:$0x1], $0x80, v3, vm0, $0xb8;
	[tilespmem:$0x10100] =	vst v63  }
0x71: {  	s0 =	simm.s32 $0xF100  }
0x72: {  	[hbm4b:s5+s2] =	stream.indirect_vreg.scatter [tilespmem:s0], [sflag:$0x1], $0x80, v3, vm0, $0xb8;
	[tilespmem:$0x10100] =	vst v63  }
0x73: {  	s0 =	simm.s32 $0xF900  }
0x74: {  	[hbm4b:s6+s2] =	stream.indirect_vreg.scatter [tilespmem:s0], [sflag:$0x1], $0x80, v3, vm0, $0xb8;
	[tilespmem:$0x10100] =	vst v63  }
0x75: {  	v3 =	vld [tilespmem:$0x80];
	_ =	sdelay $0x4  }
0x76: {  	v60 =	vshll.u32 v3, $0x3  }
0x77: {  	v3 =	vand.u32 $0x7, v3;
	v4 =	vand.u32 $0xFFFFFFC0, v60  }
0x78: {  	v3 =	vor.u32 v3, v4  }
0x79: {  	v4 =	vperm.xlane v3, v0;
	_ =	sdelay $0x1  }
0x7a: {  	v4 =	vadd.s32 v1, v4;
	_ =	sdelay $0x4  }
0x7b: {  	[hbm4b:s3+s2] =	stream.indirect_vreg.scatter [tilespmem:s18], [sflag:$0x2], $0x80, v4, vm0, $0xb8;
	[tilespmem:$0x10100] =	vst v63  }
0x7c: {  	v3 =	vperm.xlane v3, v2  }
0x7d: {  	[hbm4b:s4+s2] =	stream.indirect_vreg.scatter [tilespmem:s20], [sflag:$0x2], $0x80, v4, vm0, $0xb8;
	[tilespmem:$0x10100] =	vst v63  }
0x7e: {  	v3 =	vadd.s32 v1, v3  }
0x7f: {  	[hbm4b:s5+s2] =	stream.indirect_vreg.scatter [tilespmem:s21], [sflag:$0x2], $0x80, v4, vm0, $0xb8;
	[tilespmem:$0x10100] =	vst v63  }
0x80: {  	_ = 	snop  }
0x81: {  	[hbm4b:s6+s2] =	stream.indirect_vreg.scatter [tilespmem:s22], [sflag:$0x2], $0x80, v4, vm0, $0xb8;
	[tilespmem:$0x10100] =	vst v63  }
0x82: {  	_ = 	snop  }
0x83: {  	[hbm4b:s3+s2] =	stream.indirect_vreg.scatter [tilespmem:s23], [sflag:$0x2], $0x80, v3, vm0, $0xb8;
	[tilespmem:$0x10100] =	vst v63  }
0x84: {  	_ = 	snop  }
0x85: {  	[hbm4b:s4+s2] =	stream.indirect_vreg.scatter [tilespmem:s24], [sflag:$0x2], $0x80, v3, vm0, $0xb8;
	[tilespmem:$0x10100] =	vst v63  }
0x86: {  	_ = 	snop  }
0x87: {  	[hbm4b:s5+s2] =	stream.indirect_vreg.scatter [tilespmem:s25], [sflag:$0x2], $0x80, v3, vm0, $0xb8;
	[tilespmem:$0x10100] =	vst v63  }
0x88: {  	_ = 	snop  }
0x89: {  	[hbm4b:s6+s2] =	stream.indirect_vreg.scatter [tilespmem:s26], [sflag:$0x2], $0x80, v3, vm0, $0xb8;
	[tilespmem:$0x10100] =	vst v63  }
0x8a: {  	v3 =	vld [tilespmem:$0x90];
	_ =	sdelay $0x4  }
0x8b: {  	v61 =	vshll.u32 v3, $0x3  }
0x8c: {  	v3 =	vand.u32 $0x7, v3;
	v4 =	vand.u32 $0xFFFFFFC0, v61  }
0x8d: {  	v3 =	vor.u32 v3, v4  }
0x8e: {  	v4 =	vperm.xlane v3, v0;
	_ =	sdelay $0x1  }
0x8f: {  	v4 =	vadd.s32 v1, v4;
	_ =	sdelay $0x4  }
0x90: {  	[hbm4b:s3+s2] =	stream.indirect_vreg.scatter [tilespmem:s28], [sflag:$0x2], $0x80, v4, vm0, $0xb8;
	[tilespmem:$0x10100] =	vst v63  }
0x91: {  	v3 =	vperm.xlane v3, v2  }
0x92: {  	[hbm4b:s4+s2] =	stream.indirect_vreg.scatter [tilespmem:s29], [sflag:$0x2], $0x80, v4, vm0, $0xb8;
	[tilespmem:$0x10100] =	vst v63  }
0x93: {  	v3 =	vadd.s32 v1, v3  }
0x94: {  	[hbm4b:s5+s2] =	stream.indirect_vreg.scatter [tilespmem:s30], [sflag:$0x2], $0x80, v4, vm0, $0xb8;
	[tilespmem:$0x10100] =	vst v63  }
0x95: {  	_ = 	snop  }
0x96: {  	[hbm4b:s6+s2] =	stream.indirect_vreg.scatter [tilespmem:s31], [sflag:$0x2], $0x80, v4, vm0, $0xb8;
	[tilespmem:$0x10100] =	vst v63  }
0x97: {  	_ = 	snop  }
0x98: {  	[hbm4b:s3+s2] =	stream.indirect_vreg.scatter [tilespmem:s1], [sflag:$0x2], $0x80, v3, vm0, $0xb8;
	[tilespmem:$0x10100] =	vst v63  }
0x99: {  	s20 =	simm.s32 $0x6900  }
0x9a: {  	[hbm4b:s4+s2] =	stream.indirect_vreg.scatter [tilespmem:s20], [sflag:$0x2], $0x80, v3, vm0, $0xb8;
	[tilespmem:$0x10100] =	vst v63  }
0x9b: {  	_ = 	snop  }
0x9c: {  	[hbm4b:s5+s2] =	stream.indirect_vreg.scatter [tilespmem:s10], [sflag:$0x2], $0x80, v3, vm0, $0xb8;
	[tilespmem:$0x10100] =	vst v63  }
0x9d: {  	_ = 	snop  }
0x9e: {  	[hbm4b:s6+s2] =	stream.indirect_vreg.scatter [tilespmem:s11], [sflag:$0x2], $0x80, v3, vm0, $0xb8;
	[tilespmem:$0x10100] =	vst v63  }
0x9f: {  	v3 =	vld [tilespmem:$0xA0];
	_ =	sdelay $0x4  }
0xa0: {  	v62 =	vshll.u32 v3, $0x3  }
0xa1: {  	v3 =	vand.u32 $0x7, v3;
	v4 =	vand.u32 $0xFFFFFFC0, v62  }
0xa2: {  	v3 =	vor.u32 v3, v4  }
0xa3: {  	v4 =	vperm.xlane v3, v0;
	_ =	sdelay $0x1  }
0xa4: {  	v4 =	vadd.s32 v1, v4;
	_ =	sdelay $0x4  }
0xa5: {  	[hbm4b:s3+s2] =	stream.indirect_vreg.scatter [tilespmem:s12], [sflag:$0x2], $0x80, v4, vm0, $0xb8;
	[tilespmem:$0x10100] =	vst v63  }
0xa6: {  	v3 =	vperm.xlane v3, v2  }
0xa7: {  	[hbm4b:s4+s2] =	stream.indirect_vreg.scatter [tilespmem:s13], [sflag:$0x2], $0x80, v4, vm0, $0xb8;
	[tilespmem:$0x10100] =	vst v63  }
0xa8: {  	v3 =	vadd.s32 v1, v3  }
0xa9: {  	[hbm4b:s5+s2] =	stream.indirect_vreg.scatter [tilespmem:s14], [sflag:$0x2], $0x80, v4, vm0, $0xb8;
	[tilespmem:$0x10100] =	vst v63  }
0xaa: {  	_ = 	snop  }
0xab: {  	[hbm4b:s6+s2] =	stream.indirect_vreg.scatter [tilespmem:s15], [sflag:$0x2], $0x80, v4, vm0, $0xb8;
	[tilespmem:$0x10100] =	vst v63  }
0xac: {  	_ = 	snop  }
0xad: {  	[hbm4b:s3+s2] =	stream.indirect_vreg.scatter [tilespmem:s16], [sflag:$0x2], $0x80, v3, vm0, $0xb8;
	[tilespmem:$0x10100] =	vst v63  }
0xae: {  	_ = 	snop  }
0xaf: {  	[hbm4b:s4+s2] =	stream.indirect_vreg.scatter [tilespmem:s17], [sflag:$0x2], $0x80, v3, vm0, $0xb8;
	[tilespmem:$0x10100] =	vst v63  }
0xb0: {  	_ = 	snop  }
0xb1: {  	[hbm4b:s5+s2] =	stream.indirect_vreg.scatter [tilespmem:s9], [sflag:$0x2], $0x80, v3, vm0, $0xb8;
	[tilespmem:$0x10100] =	vst v63  }
0xb2: {  	_ = 	snop  }
0xb3: {  	[hbm4b:s6+s2] =	stream.indirect_vreg.scatter [tilespmem:s19], [sflag:$0x2], $0x80, v3, vm0, $0xb8;
	[tilespmem:$0x10100] =	vst v63  }
0xb4: {  	v3 =	vld [tilespmem:$0xB0];
	_ =	sdelay $0x4  }
0xb5: {  	v63 =	vshll.u32 v3, $0x3  }
0xb6: {  	v3 =	vand.u32 $0x7, v3;
	v4 =	vand.u32 $0xFFFFFFC0, v63  }
0xb7: {  	v3 =	vor.u32 v3, v4  }
0xb8: {  	v4 =	vperm.xlane v3, v0;
	_ =	sdelay $0x1  }
0xb9: {  	v4 =	vadd.s32 v1, v4;
	_ =	sdelay $0x3  }
0xba: {  	s21 =	simm.s32 $0xC100  }
0xbb: {  	[hbm4b:s3+s2] =	stream.indirect_vreg.scatter [tilespmem:s21], [sflag:$0x2], $0x80, v4, vm0, $0xb8;
	[tilespmem:$0x10100] =	vst v63  }
0xbc: {  	s20 =	simm.s32 $0xC900;
	v3 =	vperm.xlane v3, v2  }
0xbd: {  	[hbm4b:s4+s2] =	stream.indirect_vreg.scatter [tilespmem:s20], [sflag:$0x2], $0x80, v4, vm0, $0xb8;
	[tilespmem:$0x10100] =	vst v63  }
0xbe: {  	v3 =	vadd.s32 v1, v3;
	s21 =	simm.s32 $0xD100  }
0xbf: {  	[hbm4b:s5+s2] =	stream.indirect_vreg.scatter [tilespmem:s21], [sflag:$0x2], $0x80, v4, vm0, $0xb8;
	[tilespmem:$0x10100] =	vst v63  }
0xc0: {  	s20 =	simm.s32 $0xD900  }
0xc1: {  	[hbm4b:s6+s2] =	stream.indirect_vreg.scatter [tilespmem:s20], [sflag:$0x2], $0x80, v4, vm0, $0xb8;
	[tilespmem:$0x10100] =	vst v63  }
0xc2: {  	s21 =	simm.s32 $0xE100  }
0xc3: {  	[hbm4b:s3+s2] =	stream.indirect_vreg.scatter [tilespmem:s21], [sflag:$0x2], $0x80, v3, vm0, $0xb8;
	[tilespmem:$0x10100] =	vst v63  }
0xc4: {  	s20 =	simm.s32 $0xE900  }
0xc5: {  	[hbm4b:s4+s2] =	stream.indirect_vreg.scatter [tilespmem:s20], [sflag:$0x2], $0x80, v3, vm0, $0xb8;
	[tilespmem:$0x10100] =	vst v63  }
0xc6: {  	s21 =	simm.s32 $0xF100  }
0xc7: {  	[hbm4b:s5+s2] =	stream.indirect_vreg.scatter [tilespmem:s21], [sflag:$0x2], $0x80, v3, vm0, $0xb8;
	[tilespmem:$0x10100] =	vst v63  }
0xc8: {  	s20 =	simm.s32 $0x1  }
0xc9: {  	[hbm4b:s6+s2] =	stream.indirect_vreg.scatter [tilespmem:s0], [sflag:$0x2], $0x80, v3, vm0, $0xb8;
	[tilespmem:$0x10100] =	vst v63  }
0xca: {  	p0 =	sne.s32 s7, $0x1;
	_ =	swait.ge [sflag:s20], $0x10000  }
.Ltmp0:
0xcb: {  	[sflag:s20] =	ssyncset.done $0x0;
	(pc) =	sbr.rel @p0 .LBB2_1-.Ltmp0, $4  }
0xcc: {  	s21 =	simm.s32 $0x2;
	[sflag:s20] =	ssyncadd.s32 $0xFFFF0000  }
0xcd: {  	_ =	swait.ge [sflag:s21], $0x10000  }
0xce: {  	[sflag:s21] =	ssyncset.done $0x0  }
0xcf: {  	s7 =	sadd.s32 $0xFFFFFFFF, s7;
	[sflag:s21] =	ssyncadd.s32 $0xFFFF0000  }
0xd0: {  	_ =	sfence.sel $0x180000  }
0xd1: {  	[bflag:$0x0] =	sbarrier.arrive $0xFFFF  }
0xd2: {  	_ =	strace $0x90000047  }
0xd3: {  	s0 =	stileid.u32;
	[bflag:$0x2] =	sbarrier.arrive $0xFFFF  }
0xd4: {  	p0 =	sne.s32 s0, $0x0;
	s0 =	rddreg [dreg:$0x2]  }
0xd5: {  	s0 =	sadd.s32 @!p0 $0x100000, s0  }
0xd6: {  	[sflag:s0] =	ssyncadd.tile.s32 @!p0 $0x1;
	_ =	shalt  }
.Lfunc_end2:
_tile_overlayer_lowered:
.L_overlay_start_2:
0xd7: {  	(tag) =	ssettag $0x2  }
0xd8: {  	s0 =	rddreg [dreg:$0x0];
	s2 =	stileid.u32  }
0xd9: {  	s1 =	rddreg [dreg:$0x1];
	p0 =	sne.s32 s2, $0x0  }
0xda: {  	s3 =	rddreg [dreg:$0x2];
	[bflag:$0x3] =	sbarrier.arrive $0xFFFF;
	s2 =	simm.s32 @!p0 $0x1C03  }
0xdb: {  	[timem:s3], [sflag:s2] =	dma.local @!p0 [hbm:s0], s1  }
0xdc: {  	s0 =	simm.s32 @!p0 $0x3  }
0xdd: {  	_ =	swait.ge @!p0 [sflag:s0], s1  }
0xde: {  	s1 =	ssub.s32 @!p0 $0x0, s1;
	[sflag:s0] =	ssyncset.done @!p0 $0x0  }
0xdf: {  	[sflag:s0] =	ssyncadd.s32 @!p0 s1  }
0xe0: {  	[bflag:$0x3] =	sbarrier.arrive $0xFFFF  }
0xe1: {  	_ =	shalt  }

// kernel: kernel.8.cloned.1.call-start
scs
__scs_entry_jumppad:
0x0: {  	(pc) =	sbr.rel $0x88, $3  }
0x1: {  	(tag) =	ssettag $0x0;
	lr =	simm.s32 $0x1  }
0x2: {  	[smem:$0x3F9D] =	sst lr;
	_ =	strace $0xD0000000  }
0x3: {  	_ = 	snop  }
0x4: {  	_ = 	snop  }
0x5: {  	_ = 	snop  }
0x6: {  	_ = 	snop  }
0x7: {  	_ = 	snop  }
__scs_overlays_trampoline_lowered:
0x8: {  	[smem:$0x3FAC] =	sst s0  }
0x9: {  	[smem:$0x3FAD] =	sst s1  }
0xa: {  	[smem:$0x3FAE] =	sst s2  }
0xb: {  	[smem:$0x3FAF] =	sst s3  }
0xc: {  	[smem:$0x3FB0] =	sst s4  }
0xd: {  	[smem:$0x3FB1] =	sst s5  }
0xe: {  	[smem:$0x3FB2] =	sst s6  }
0xf: {  	[smem:$0x3FB3] =	sst s7  }
0x10: {  	[smem:$0x3FB4] =	sst s8  }
0x11: {  	[smem:$0x3FB5] =	sst s9;
	s0 =	simm.s32 @!p0 $0x0  }
0x12: {  	s1 =	sld [smem:$0x3F9B];
	s0 =	simm.s32 @p0 $0x1  }
0x13: {  	[smem:$0x3FB6] =	sst s0;
	s0 =	simm.s32 @!p1 $0x0  }
0x14: {  	s2 =	sld [smem:$0x3F9A];
	s0 =	simm.s32 @p1 $0x1  }
0x15: {  	[smem:$0x3FB7] =	sst s0;
	s0 =	simm.s32 @!p2 $0x0  }
0x16: {  	s3 =	sld [smem:$0x3FDB];
	s0 =	simm.s32 @p2 $0x1  }
0x17: {  	s4 =	simm.s32 $0x1BF5;
	[smem:$0x3FB9] =	sst s0  }
0x18: {  	s0 =	sld [smem:$0x3F9C];
	_ =	swait.ge [sflag:s4], $0x0  }
0x19: {  	s7 =	sld [smem:$0x3F9D]  }
0x1a: {  	s8 =	sadd.s32 $0xFFFFE003, lr  }
0x1b: {  	s9 =	sadd.s32 $0xFFFFFEF7, lr;
	s5 =	simm.s32 $0xFFFFFFFF;
	p2 =	slt.u32 s8, $0xFFFFF086  }
0x1c: {  	p1 =	slt.u32 s9, $0xF7A;
	s5 =	simm.s32 @!p2 $0x0  }
0x1d: {  	s5 =	simm.s32 @p1 $0x1;
	p0 =	seq.s32 s7, s2  }
0x1e: {  	s7 =	smul.u32 @!p0 $0xF7A, s2;
	p2 =	seq.s32 @!p0 s5, $0x0  }
0x1f: {  	s9 =	smul.u32 $0xF7A, s1;
	s8 =	simm.s32 @!p0 $0x1BF5;
	p2 =	por !p2, p0  }
0x20: {  	[sflag:s8] =	ssyncset.s32 @!p0 $0xFFFFF086;
	s6 =	sadd.s32 @!p0 s3, s7;
	s7 =	simm.s32 @!p0 $0x108  }
0x21: {  	s3 =	sadd.s32 s3, s9;
	s6 =	sadd.s32 @!p0 $0x88, s6;
	s7 =	simm.s32 @p2 $0x1082  }
0x22: {  	[simem:s7], [sflag:s8] =	dma.local @!p0 [hbm:s6], $0xF7A  }
0x23: {  	s9 =	sor.u32 $0xD0000000, s2;
	s6 =	simm.s32 $0x108;
	_ =	swait.ge @!p0 [sflag:s8], $0x0  }
0x24: {  	s3 =	sadd.s32 $0x88, s3;
	s6 =	simm.s32 @!p1 $0x1082;
	[sflag:s4] =	ssyncset.s32 $0xFFFFF086  }
0x25: {  	[simem:s6], [sflag:s4] =	dma.local [hbm:s3], $0xF7A  }
0x26: {  	[smem:$0x3F9D] =	sst s1;
	(tag) =	ssettag s2;
	_ =	strace s9  }
0x27: {  	s1 =	sld [smem:$0x3FAD]  }
0x28: {  	s2 =	sld [smem:$0x3FAE]  }
0x29: {  	s4 =	sld [smem:$0x3FB0]  }
0x2a: {  	p0 =	seq.s32 s5, $0x0;
	s5 =	sld [smem:$0x3FB1]  }
0x2b: {  	s6 =	sld [smem:$0x3FB2]  }
0x2c: {  	s7 =	sld [smem:$0x3FB3]  }
0x2d: {  	s3 =	simm.s32 $0x108;
	s8 =	sld [smem:$0x3FB4]  }
0x2e: {  	s3 =	simm.s32 @!p0 $0x1082;
	s9 =	sld [smem:$0x3FB5]  }
0x2f: {  	lr =	sadd.s32 s0, s3;
	s0 =	sld [smem:$0x3FAC]  }
0x30: {  	s3 =	sld [smem:$0x3FAF]  }
0x31: {  	[smem:$0x3FB8] =	sst s10  }
0x32: {  	s10 =	sld [smem:$0x3FB6];
	_ =	sdelay $0x3  }
0x33: {  	p0 =	seq.s32 s10, $0x1;
	s10 =	sld [smem:$0x3FB8];
	_ =	sdelay $0x3  }
0x34: {  	[smem:$0x3FB8] =	sst s10  }
0x35: {  	s10 =	sld [smem:$0x3FB7];
	_ =	sdelay $0x3  }
0x36: {  	p1 =	seq.s32 s10, $0x1;
	s10 =	sld [smem:$0x3FB8];
	_ =	sdelay $0x3  }
0x37: {  	[smem:$0x3FB8] =	sst s10  }
0x38: {  	s10 =	sld [smem:$0x3FB9]  }
0x39: {  	_ = 	snop;
	(pc) =	sbr.ind lr, $3  }
0x3a: {  	_ = 	snop  }
0x3b: {  	_ = 	snop  }
0x3c: {  	p2 =	seq.s32 s10, $0x1;
	s10 =	sld [smem:$0x3FB8]  }
0x3d: {  	_ =	shalt  }
0x3e: {  	_ =	shalt  }
0x3f: {  	_ =	shalt  }
0x40: {  	_ =	shalt  }
0x41: {  	_ =	shalt  }
0x42: {  	_ =	shalt  }
0x43: {  	_ =	shalt  }
0x44: {  	_ =	shalt  }
0x45: {  	_ =	shalt  }
0x46: {  	_ =	shalt  }
0x47: {  	_ =	shalt  }
0x48: {  	_ =	shalt  }
0x49: {  	_ =	shalt  }
0x4a: {  	_ =	shalt  }
0x4b: {  	_ =	shalt  }
0x4c: {  	_ =	shalt  }
0x4d: {  	_ =	shalt  }
0x4e: {  	_ =	shalt  }
0x4f: {  	_ =	shalt  }
0x50: {  	_ =	shalt  }
0x51: {  	_ =	shalt  }
0x52: {  	_ =	shalt  }
0x53: {  	_ =	shalt  }
0x54: {  	_ =	shalt  }
0x55: {  	_ =	shalt  }
0x56: {  	_ =	shalt  }
0x57: {  	_ =	shalt  }
0x58: {  	_ =	shalt  }
0x59: {  	_ =	shalt  }
0x5a: {  	_ =	shalt  }
0x5b: {  	_ =	shalt  }
0x5c: {  	_ =	shalt  }
0x5d: {  	_ =	shalt  }
0x5e: {  	_ =	shalt  }
0x5f: {  	_ =	shalt  }
0x60: {  	_ =	shalt  }
0x61: {  	_ =	shalt  }
0x62: {  	_ =	shalt  }
0x63: {  	_ =	shalt  }
0x64: {  	_ =	shalt  }
0x65: {  	_ =	shalt  }
0x66: {  	_ =	shalt  }
0x67: {  	_ =	shalt  }
0x68: {  	_ =	shalt  }
0x69: {  	_ =	shalt  }
0x6a: {  	_ =	shalt  }
0x6b: {  	_ =	shalt  }
0x6c: {  	_ =	shalt  }
0x6d: {  	_ =	shalt  }
0x6e: {  	_ =	shalt  }
0x6f: {  	_ =	shalt  }
0x70: {  	_ =	shalt  }
0x71: {  	_ =	shalt  }
0x72: {  	_ =	shalt  }
0x73: {  	_ =	shalt  }
0x74: {  	_ =	shalt  }
0x75: {  	_ =	shalt  }
0x76: {  	_ =	shalt  }
0x77: {  	_ =	shalt  }
0x78: {  	_ =	shalt  }
0x79: {  	_ =	shalt  }
0x7a: {  	_ =	shalt  }
0x7b: {  	_ =	shalt  }
0x7c: {  	_ =	shalt  }
0x7d: {  	_ =	shalt  }
0x7e: {  	_ =	shalt  }
0x7f: {  	_ =	shalt  }
0x80: {  	_ =	shalt  }
0x81: {  	_ =	shalt  }
0x82: {  	_ =	shalt  }
0x83: {  	_ =	shalt  }
0x84: {  	_ =	shalt  }
0x85: {  	_ =	shalt  }
0x86: {  	_ =	shalt  }
0x87: {  	_ =	shalt  }
.Lfunc_end0:
.L_simem_size_0:
called_computation.1_lowered:
.L_overlay_start_0:
0x88: {  	s2 =	sld [smem:$0x3FD9]  }
0x89: {  	s3 =	sld [smem:$0x3FFE];
	_ =	sdelay $0x1  }
0x8a: {  	s1 =	srdreg.scid  }
0x8b: {  	s0 =	sand.u32 $0x1, s1  }
0x8c: {  	s14 =	sshll.u32 s0, $0xA;
	s2 =	sadd.s32 s3, s2  }
0x8d: {  	s2 =	sadd.s32 s2, s14  }
0x8e: {  	[smem:$0x3FC4] =	sst s2  }
0x8f: {  	_ = 	snop  }
0x90: {  	s2 =	sld [smem:$0x3FD0];
	_ =	sdelay $0x2  }
0x91: {  	s15 =	simm.s32 $0xA;
	s4 =	simm.s32 $0x10  }
0x92: {  	[smem:s4], [sflag:s15] =	dma.local [hbm:s2], $0x1  }
0x93: {  	_ =	swait.eq [sflag:s15], $0x1  }
0x94: {  	[sflag:s15] =	ssyncset.done $0x0  }
0x95: {  	[sflag:s15] =	ssyncadd.s32 $0xFFFFFFFF  }
0x96: {  	s16 =	sld [smem:$0x10];
	(tm) =	ssettm $0x1  }
0x97: {  	s17 =	sld [smem:$0x3FFB];
	_ =	sdelay $0x3  }
0x98: {  	_ =	strace s17  }
0x99: {  	s3 =	sld [smem:$0x3FFC];
	_ =	sdelay $0x3  }
0x9a: {  	_ =	strace s3  }
0x9b: {  	s3 =	sld [smem:$0x3FFD];
	_ =	sdelay $0x3  }
0x9c: {  	_ =	strace s3  }
0x9d: {  	_ =	strace $0x8FFFFFFF  }
0x9e: {  	s18 =	sld [smem:$0x3FDB];
	_ =	sdelay $0x1  }
0x9f: {  	s19 =	simm.s32 $_scs_section_size  }
0xa0: {  	s5 =	simm.s32 $_size__tile_overlayer_lowered;
	s6 =	simm.s32 $_tile_overlayer_lowered  }
0xa1: {  	s22 =	simm.s32 $0x1BFF;
	s21 =	sshll.u32 s6, $0x1;
	s3 =	sadd.s32 s19, s18  }
0xa2: {  	s7 =	simm.s32 $0x0;
	s20 =	sshll.u32 s5, $0x1;
	s5 =	sadd.s32 s21, s3  }
0xa3: {  	[timem:s7], [sflag:s22] =	dma.local [hbm:s5], s20  }
0xa4: {  	_ =	swait.ge [sflag:s22], s20  }
0xa5: {  	s4 =	ssub.s32 $0x0, s20;
	[sflag:s22] =	ssyncset.done $0x0  }
0xa6: {  	[sflag:s22] =	ssyncadd.s32 s4;
	_ =	sdelay $0x1  }
0xa7: {  	s23 =	simm.s32 $0x1B8B  }
0xa8: {  	_ =	swait.ge [sflag:s23], $0x1  }
0xa9: {  	[sflag:s23] =	ssyncset.done $0x0  }
0xaa: {  	s25 =	simm.s32 $0x1B8E;
	s24 =	sld [smem:$0x3FFE];
	[sflag:s23] =	ssyncadd.s32 $0xFFFFFFFF  }
0xab: {  	s26 =	simm.s32 $execute0_lowered;
	[smem:$0x3FD2] =	sst s25  }
0xac: {  	s5 =	sshll.u32 s26, $0x1;
	_ =	strace $0x80000049;
	[dreg:$0x1] =	wrdreg $0xFFFFFFFF  }
0xad: {  	s28 =	simm.s32 $_size_execute0_lowered;
	s3 =	sadd.s32 s3, s5;
	[dreg:$0x0] =	wrdreg $0x0  }
0xae: {  	s5 =	sshll.u32 s28, $0x1;
	[dreg:$0x2] =	wrdreg s3  }
0xaf: {  	[dreg:$0x3] =	wrdreg s5  }
0xb0: {  	[dreg:$0x4] =	wrdreg $0xC0  }
0xb1: {  	_ =	task [dreg:s7], $0x5FFFF  }
0xb2: {  	[dreg:$0x1] =	wrdreg $0xFFFFFFFF  }
0xb3: {  	[dreg:$0x0] =	wrdreg $0x60  }
0xb4: {  	[dreg:$0x2] =	wrdreg s24  }
0xb5: {  	[dreg:$0x3] =	wrdreg s16  }
0xb6: {  	[dreg:$0x4] =	wrdreg $0x9  }
0xb7: {  	_ =	task.clear_ibuf [dreg:s7], $0x5FFFF;
	_ =	strace $0x90000049  }
0xb8: {  	s29 =	simm.s32 $0x9;
	_ =	strace $0x8000004B  }
0xb9: {  	_ =	swait.ge [sflag:s29], $0x1  }
0xba: {  	[sflag:s29] =	ssyncadd.s32 $0xFFFFFFFF  }
0xbb: {  	_ =	strace $0x9000004B  }
0xbc: {  	_ =	sfence  }
0xbd: {  	s30 =	sld [smem:$0x0];
	_ =	sdelay $0x2  }
0xbe: {  	s31 =	sshll.u32 s1, $0xD;
	s1 =	sshrl.u32 s1, $0x2  }
0xbf: {  	s3 =	sand.u32 $0x4000, s31;
	s1 =	sadd.s32 s1, s30  }
0xc0: {  	s0 =	sor.u32 s3, s0;
	s1 =	sshll.u32 s1, $0x11  }
0xc1: {  	s0 =	sor.u32 s1, s0  }
0xc2: {  	s0 =	sadd.s32 $0x8F2B, s0  }
0xc3: {  	[sflag:s0] =	ssyncadd.remote.s32 $0x1  }
0xc4: {  	_ =	sfence.sel $0xFFFF  }
0xc5: {  	[dreg:$0x0] =	wrdreg $0xFFFFFFFF;
	(pc) =	sbr.abs _section_cstart, $3  }
0xc6: {  	[dreg:$0x1] =	wrdreg $0xFFFFFFFF  }
0xc7: {  	_ =	task.clear_ibuf [dreg:s7], $0x2FFFF;
	_ =	strace $0x9FFFFFFF  }
0xc8: {  	(tm) =	ssettm $0x7FFFFFFF  }
0xc9: {  	_ =	shalt  }
tec
execute0_lowered:
.L_overlay_start_1:
0x0: {  	(tag) =	ssettag $0x1  }
0x1: {  	s0 =	rddreg [dreg:$0x0]  }
0x2: {  	s1 =	rddreg [dreg:$0x1];
	s2 =	srdreg.scid  }
0x3: {  	s4 =	stileid.u32;
	s16 =	simm.s32 $0x5;
	s14 =	simm.s32 $0x10100  }
0x4: {  	s15 =	simm.s32 $0x11100;
	s28 =	simm.s32 $0x13100;
	s29 =	simm.s32 $0x13900  }
0x5: {  	s30 =	simm.s32 $0x1;
	s31 =	simm.s32 $0x3;
	s17 =	simm.s32 $0x0  }
0x6: {  	s3 =	sand.u32 $0x1, s2;
	s2 =	simm.s32 $0x0;
	s4 =	sshll.u32 s4, $0x7  }
0x7: {  	s9 =	sadd.s32 $0xB0E00, s0;
	s10 =	sadd.s32 $0xB0F00, s0;
	s5 =	sshll.u32 s3, $0x6  }
0x8: {  	[smem:$0x7FF] =	sst s2;
	s6 =	ssub.s32 $0x2, s3;
	s3 =	sadd.s32 $0xB0C00, s0  }
0x9: {  	s4 =	sor.u32 s5, s4;
	_ =	strace $0x8000004A;
	s7 =	sshrl.u32 s6, $0x1  }
0xa: {  	s5 =	sshrl.u32 s4, $0x3;
	s19 =	sshll.u32 s4, $0x4;
	s6 =	ssub.s32 s6, s7  }
0xb: {  	s4 =	sshll.u32 s4, $0x7;
	s5 =	sadd.s32 s5, s0;
	s26 =	smax.u32 s6, $0x1  }
0xc: {  	s8 =	sadd.s32 s19, s0;
	s20 =	sadd.s32 $0x10200, s5;
	[dreg:$0xa] =	wrdreg s26  }
0xd: {  	s11 =	sadd.s32 s1, s4;
	s5 =	sadd.s32 $0x10000, s5;
	[dreg:$0x3] =	wrdreg s20  }
0xe: {  	s4 =	simm.s32 $0x8100;
	s21 =	sadd.s32 $0x10400, s8;
	[dreg:$0x4] =	wrdreg s5  }
0xf: {  	s1 =	simm.s32 $0x4;
	s22 =	sadd.s32 $0x18400, s8;
	[dreg:$0x5] =	wrdreg s21  }
0x10: {  	s8 =	sadd.s32 $0xB0D00, s0;
	s23 =	sadd.s32 $0x800, s11;
	[dreg:$0x6] =	wrdreg s22  }
0x11: {  	s24 =	sadd.s32 $0x1000, s11;
	s25 =	sadd.s32 $0x1800, s11;
	[dreg:$0x7] =	wrdreg s23  }
0x12: {  	v2 =	vlaneseq.u32;
	s26 =	simm.s32 $0x12900;
	s0 =	simm.s32 $0x2;
	[dreg:$0x8] =	wrdreg s24  }
0x13: {  	vm0 =	vmmov $0xffff;
	v1 =	vshrl.u32 v2, $0x3;
	[dreg:$0x9] =	wrdreg s25;
	s20 =	simm.s32 $0x4100;
	s22 =	simm.s32 $0xB900  }
0x14: {  	v0 =	vand.u32 $0x7, v2;
	v2 =	vor.u32 $0x8, v2;
	v1 =	vmul.u32 $0x8, v1;
	s23 =	simm.s32 $0x10900;
	s24 =	simm.s32 $0x11900;
	s25 =	simm.s32 $0x12100  }
.LBB2_1:
0x15: {  	s5 =	rddreg [dreg:$0x3]  }
0x16: {  	[tilespmem:s2], [sflag:$0x5] =	stream.linear.gather [hbm4b:s5+s2], $0x40, $0x38;
	[tilespmem:$0x14100] =	vst v63  }
0x17: {  	_ =	swait.ge [sflag:s16], $0x40  }
0x18: {  	[sflag:s16] =	ssyncset.done $0x0  }
0x19: {  	s6 =	simm.s32 $0x80;
	s12 =	rddreg [dreg:$0x4];
	[sflag:s16] =	ssyncadd.s32 $0xFFFFFFC0  }
0x1a: {  	[tilespmem:s6], [sflag:$0x5] =	stream.linear.gather [hbm4b:s12+s2], $0x40, $0x38;
	[tilespmem:$0x14100] =	vst v63  }
0x1b: {  	_ =	swait.ge [sflag:s16], $0x40  }
0x1c: {  	[sflag:s16] =	ssyncset.done $0x0  }
0x1d: {  	s18 =	simm.s32 $0x100;
	s13 =	rddreg [dreg:$0x5];
	[sflag:s16] =	ssyncadd.s32 $0xFFFFFFC0  }
0x1e: {  	[tilespmem:s18], [sflag:$0x5] =	stream.linear.gather [hbm4b:s13+s2], $0x2000, $0x38;
	[tilespmem:$0x14100] =	vst v63  }
0x1f: {  	_ =	swait.ge [sflag:s16], $0x2000  }
0x20: {  	[sflag:s16] =	ssyncset.done $0x0  }
0x21: {  	s21 =	simm.s32 $0x2100;
	s19 =	rddreg [dreg:$0x6];
	[sflag:s16] =	ssyncadd.s32 $0xFFFFE000  }
0x22: {  	[tilespmem:s21], [sflag:$0x5] =	stream.linear.gather [hbm4b:s19+s2], $0x2000, $0x38;
	[tilespmem:$0x14100] =	vst v63  }
0x23: {  	_ =	swait.ge [sflag:s16], $0x2000  }
0x24: {  	[sflag:s16] =	ssyncset.done $0x0  }
0x25: {  	[sflag:s16] =	ssyncadd.s32 $0xFFFFE000  }
0x26: {  	v3 =	vld [tilespmem:$0x0];
	_ =	sdelay $0x4  }
0x27: {  	v4 =	vshll.u32 v3, $0x3  }
0x28: {  	v3 =	vand.u32 $0x7, v3;
	v4 =	vand.u32 $0xFFFFFFC0, v4  }
0x29: {  	v3 =	vor.u32 v3, v4  }
0x2a: {  	v4 =	vperm.xlane v3, v0;
	_ =	sdelay $0x1  }
0x2b: {  	v4 =	vadd.s32 v1, v4;
	_ =	sdelay $0x4  }
0x2c: {  	[tilespmem:s20], [sflag:$0x1] =	stream.indirect_vreg.gather [hbm4b:s3+s2], $0x80, v4, vm0, $0xb8;
	[tilespmem:$0x14100] =	vst v63  }
0x2d: {  	s6 =	simm.s32 $0x4900;
	v3 =	vperm.xlane v3, v2  }
0x2e: {  	[tilespmem:s6], [sflag:$0x1] =	stream.indirect_vreg.gather [hbm4b:s8+s2], $0x80, v4, vm0, $0xb8;
	[tilespmem:$0x14100] =	vst v63  }
0x2f: {  	s7 =	simm.s32 $0x5100;
	v3 =	vadd.s32 v1, v3  }
0x30: {  	[tilespmem:s7], [sflag:$0x1] =	stream.indirect_vreg.gather [hbm4b:s9+s2], $0x80, v4, vm0, $0xb8;
	[tilespmem:$0x14100] =	vst v63  }
0x31: {  	s12 =	simm.s32 $0x5900  }
0x32: {  	[tilespmem:s12], [sflag:$0x1] =	stream.indirect_vreg.gather [hbm4b:s10+s2], $0x80, v4, vm0, $0xb8;
	[tilespmem:$0x14100] =	vst v63  }
0x33: {  	s13 =	simm.s32 $0x6100  }
0x34: {  	[tilespmem:s13], [sflag:$0x1] =	stream.indirect_vreg.gather [hbm4b:s3+s2], $0x80, v3, vm0, $0xb8;
	[tilespmem:$0x14100] =	vst v63  }
0x35: {  	s18 =	simm.s32 $0x6900  }
0x36: {  	[tilespmem:s18], [sflag:$0x1] =	stream.indirect_vreg.gather [hbm4b:s8+s2], $0x80, v3, vm0, $0xb8;
	[tilespmem:$0x14100] =	vst v63  }
0x37: {  	s19 =	simm.s32 $0x7100  }
0x38: {  	[tilespmem:s19], [sflag:$0x1] =	stream.indirect_vreg.gather [hbm4b:s9+s2], $0x80, v3, vm0, $0xb8;
	[tilespmem:$0x14100] =	vst v63  }
0x39: {  	s21 =	simm.s32 $0x7900  }
0x3a: {  	[tilespmem:s21], [sflag:$0x1] =	stream.indirect_vreg.gather [hbm4b:s10+s2], $0x80, v3, vm0, $0xb8;
	[tilespmem:$0x14100] =	vst v63  }
0x3b: {  	v3 =	vld [tilespmem:$0x80];
	_ =	sdelay $0x4  }
0x3c: {  	v61 =	vshll.u32 v3, $0x3  }
0x3d: {  	v3 =	vand.u32 $0x7, v3;
	v4 =	vand.u32 $0xFFFFFFC0, v61  }
0x3e: {  	v3 =	vor.u32 v3, v4  }
0x3f: {  	v4 =	vperm.xlane v3, v0;
	_ =	sdelay $0x1  }
0x40: {  	v4 =	vadd.s32 v1, v4;
	_ =	sdelay $0x3  }
0x41: {  	s6 =	simm.s32 $0xC100  }
0x42: {  	[tilespmem:s6], [sflag:$0x1] =	stream.indirect_vreg.gather [hbm4b:s3+s2], $0x80, v4, vm0, $0xb8;
	[tilespmem:$0x14100] =	vst v63  }
0x43: {  	s7 =	simm.s32 $0xC900;
	v3 =	vperm.xlane v3, v2  }
0x44: {  	[tilespmem:s7], [sflag:$0x1] =	stream.indirect_vreg.gather [hbm4b:s8+s2], $0x80, v4, vm0, $0xb8;
	[tilespmem:$0x14100] =	vst v63  }
0x45: {  	s12 =	simm.s32 $0xD100;
	v3 =	vadd.s32 v1, v3  }
0x46: {  	[tilespmem:s12], [sflag:$0x1] =	stream.indirect_vreg.gather [hbm4b:s9+s2], $0x80, v4, vm0, $0xb8;
	[tilespmem:$0x14100] =	vst v63  }
0x47: {  	s13 =	simm.s32 $0xD900  }
0x48: {  	[tilespmem:s13], [sflag:$0x1] =	stream.indirect_vreg.gather [hbm4b:s10+s2], $0x80, v4, vm0, $0xb8;
	[tilespmem:$0x14100] =	vst v63  }
0x49: {  	s18 =	simm.s32 $0xE100  }
0x4a: {  	[tilespmem:s18], [sflag:$0x1] =	stream.indirect_vreg.gather [hbm4b:s3+s2], $0x80, v3, vm0, $0xb8;
	[tilespmem:$0x14100] =	vst v63  }
0x4b: {  	s19 =	simm.s32 $0xE900  }
0x4c: {  	[tilespmem:s19], [sflag:$0x1] =	stream.indirect_vreg.gather [hbm4b:s8+s2], $0x80, v3, vm0, $0xb8;
	[tilespmem:$0x14100] =	vst v63  }
0x4d: {  	s21 =	simm.s32 $0xF100  }
0x4e: {  	[tilespmem:s21], [sflag:$0x1] =	stream.indirect_vreg.gather [hbm4b:s9+s2], $0x80, v3, vm0, $0xb8;
	[tilespmem:$0x14100] =	vst v63  }
0x4f: {  	s6 =	simm.s32 $0xF900  }
0x50: {  	[tilespmem:s6], [sflag:$0x1] =	stream.indirect_vreg.gather [hbm4b:s10+s2], $0x80, v3, vm0, $0xb8;
	[tilespmem:$0x14100] =	vst v63  }
0x51: {  	v3 =	vld [tilespmem:$0x10];
	_ =	sdelay $0x4  }
0x52: {  	v62 =	vshll.u32 v3, $0x3  }
0x53: {  	v3 =	vand.u32 $0x7, v3;
	v4 =	vand.u32 $0xFFFFFFC0, v62  }
0x54: {  	v3 =	vor.u32 v3, v4  }
0x55: {  	v4 =	vperm.xlane v3, v0;
	_ =	sdelay $0x1  }
0x56: {  	v4 =	vadd.s32 v1, v4;
	_ =	sdelay $0x4  }
0x57: {  	[tilespmem:s4], [sflag:$0x2] =	stream.indirect_vreg.gather [hbm4b:s3+s2], $0x80, v4, vm0, $0xb8;
	[tilespmem:$0x14100] =	vst v63  }
0x58: {  	s7 =	simm.s32 $0x8900;
	v3 =	vperm.xlane v3, v2  }
0x59: {  	[tilespmem:s7], [sflag:$0x2] =	stream.indirect_vreg.gather [hbm4b:s8+s2], $0x80, v4, vm0, $0xb8;
	[tilespmem:$0x14100] =	vst v63  }
0x5a: {  	s12 =	simm.s32 $0x9100;
	v3 =	vadd.s32 v1, v3  }
0x5b: {  	[tilespmem:s12], [sflag:$0x2] =	stream.indirect_vreg.gather [hbm4b:s9+s2], $0x80, v4, vm0, $0xb8;
	[tilespmem:$0x14100] =	vst v63  }
0x5c: {  	s13 =	simm.s32 $0x9900  }
0x5d: {  	[tilespmem:s13], [sflag:$0x2] =	stream.indirect_vreg.gather [hbm4b:s10+s2], $0x80, v4, vm0, $0xb8;
	[tilespmem:$0x14100] =	vst v63  }
0x5e: {  	s18 =	simm.s32 $0xA100  }
0x5f: {  	[tilespmem:s18], [sflag:$0x2] =	stream.indirect_vreg.gather [hbm4b:s3+s2], $0x80, v3, vm0, $0xb8;
	[tilespmem:$0x14100] =	vst v63  }
0x60: {  	s19 =	simm.s32 $0xA900  }
0x61: {  	[tilespmem:s19], [sflag:$0x2] =	stream.indirect_vreg.gather [hbm4b:s8+s2], $0x80, v3, vm0, $0xb8;
	[tilespmem:$0x14100] =	vst v63  }
0x62: {  	s21 =	simm.s32 $0xB100  }
0x63: {  	[tilespmem:s21], [sflag:$0x2] =	stream.indirect_vreg.gather [hbm4b:s9+s2], $0x80, v3, vm0, $0xb8;
	[tilespmem:$0x14100] =	vst v63  }
0x64: {  	_ = 	snop  }
0x65: {  	[tilespmem:s22], [sflag:$0x2] =	stream.indirect_vreg.gather [hbm4b:s10+s2], $0x80, v3, vm0, $0xb8;
	[tilespmem:$0x14100] =	vst v63  }
0x66: {  	v3 =	vld [tilespmem:$0x90];
	_ =	sdelay $0x4  }
0x67: {  	v63 =	vshll.u32 v3, $0x3  }
0x68: {  	v3 =	vand.u32 $0x7, v3;
	v4 =	vand.u32 $0xFFFFFFC0, v63  }
0x69: {  	v3 =	vor.u32 v3, v4  }
0x6a: {  	v4 =	vperm.xlane v3, v0;
	_ =	sdelay $0x1  }
0x6b: {  	v4 =	vadd.s32 v1, v4;
	_ =	sdelay $0x4  }
0x6c: {  	[tilespmem:s14], [sflag:$0x2] =	stream.indirect_vreg.gather [hbm4b:s3+s2], $0x80, v4, vm0, $0xb8;
	[tilespmem:$0x14100] =	vst v63  }
0x6d: {  	v3 =	vperm.xlane v3, v2  }
0x6e: {  	[tilespmem:s23], [sflag:$0x2] =	stream.indirect_vreg.gather [hbm4b:s8+s2], $0x80, v4, vm0, $0xb8;
	[tilespmem:$0x14100] =	vst v63  }
0x6f: {  	v3 =	vadd.s32 v1, v3  }
0x70: {  	[tilespmem:s15], [sflag:$0x2] =	stream.indirect_vreg.gather [hbm4b:s9+s2], $0x80, v4, vm0, $0xb8;
	[tilespmem:$0x14100] =	vst v63  }
0x71: {  	_ = 	snop  }
0x72: {  	[tilespmem:s24], [sflag:$0x2] =	stream.indirect_vreg.gather [hbm4b:s10+s2], $0x80, v4, vm0, $0xb8;
	[tilespmem:$0x14100] =	vst v63  }
0x73: {  	_ = 	snop  }
0x74: {  	[tilespmem:s25], [sflag:$0x2] =	stream.indirect_vreg.gather [hbm4b:s3+s2], $0x80, v3, vm0, $0xb8;
	[tilespmem:$0x14100] =	vst v63  }
0x75: {  	_ = 	snop  }
0x76: {  	[tilespmem:s26], [sflag:$0x2] =	stream.indirect_vreg.gather [hbm4b:s8+s2], $0x80, v3, vm0, $0xb8;
	[tilespmem:$0x14100] =	vst v63  }
0x77: {  	_ = 	snop  }
0x78: {  	[tilespmem:s28], [sflag:$0x2] =	stream.indirect_vreg.gather [hbm4b:s9+s2], $0x80, v3, vm0, $0xb8;
	[tilespmem:$0x14100] =	vst v63  }
0x79: {  	_ = 	snop  }
0x7a: {  	[tilespmem:s29], [sflag:$0x2] =	stream.indirect_vreg.gather [hbm4b:s10+s2], $0x80, v3, vm0, $0xb8;
	[tilespmem:$0x14100] =	vst v63  }
0x7b: {  	_ =	swait.ge [sflag:s30], $0x4000  }
0x7c: {  	[sflag:s30] =	ssyncset.done $0x0  }
0x7d: {  	[sflag:s30] =	ssyncadd.s32 $0xFFFFC000  }
0x7e: {  	_ =	swait.ge [sflag:s30], $0x4000  }
0x7f: {  	[sflag:s30] =	ssyncset.done $0x0  }
0x80: {  	s18 =	simm.s32 $0x0;
	[sflag:s30] =	ssyncadd.s32 $0xFFFFC000  }
.LBB2_2:
0x81: {  	s5 =	sshll.u32 s18, $0x7;
	s6 =	sshll.u32 s18, $0xA  }
0x82: {  	s12 =	simm.s32 $0x0;
	s6 =	sand.u32 $0x2000, s6;
	s7 =	sand.u32 $0x380, s5  }
0x83: {  	s19 =	sor.u32 s6, s7;
	s7 =	sand.u32 $0x1C00, s12  }
0x84: {  	v3 =	vld [tilespmem:s5+$0x100];
	s13 =	sand.u32 $0x70, s12;
	s6 =	sor.u32 s7, s19  }
0x85: {  	v4 =	vld [tilespmem:s5+$0x2100];
	s5 =	sor.u32 s13, s6  }
0x86: {  	v5 =	vld [tilespmem:s5+$0xC100]  }
0x87: {  	v6 =	vld [tilespmem:s5+$0x4100];
	_ =	sdelay $0x4  }
0x88: {  	s6 =	simm.s32 $0x80;
	v6 =	vmul.f32 v6, v3;
	v5 =	vmul.f32 v5, v4  }
0x89: {  	s21 =	simm.s32 $0x10;
	s13 =	sand.u32 $0x1C00, s6  }
0x8a: {  	s12 =	sand.u32 $0x70, s21;
	s7 =	simm.s32 $0x20;
	s21 =	sor.u32 s13, s19;
	v5 =	vadd.f32 v5, v6  }
.LBB2_3:
0x8b: {  	p0 =	sne.s32 s7, $0x3F0;
	s12 =	sor.u32 s12, s21  }
0x8c: {  	v6 =	vld [tilespmem:s12+$0xC100];
	[tilespmem:s5+$0x4100] =	vst v5;
	s5 =	smov.u32 s12  }
0x8d: {  	v5 =	vld [tilespmem:s5+$0x4100];
	_ =	sdelay $0x2  }
.Ltmp0:
0x8e: {  	(pc) =	sbr.rel @p0 .LBB2_3-.Ltmp0, $4  }
0x8f: {  	_ = 	snop  }
0x90: {  	s6 =	sadd.s32 $0x80, s6;
	v6 =	vmul.f32 v6, v4;
	v5 =	vmul.f32 v5, v3  }
0x91: {  	s13 =	sand.u32 $0x1C00, s6  }
0x92: {  	s12 =	sand.u32 $0x70, s7;
	s7 =	sadd.s32 $0x10, s7;
	s21 =	sor.u32 s13, s19;
	v5 =	vadd.f32 v6, v5  }
0x93: {  	s6 =	sor.u32 s12, s21  }
0x94: {  	v6 =	vld [tilespmem:s6+$0xC100];
	[tilespmem:s5+$0x4100] =	vst v5  }
0x95: {  	v5 =	vld [tilespmem:s6+$0x4100];
	_ =	sdelay $0x2  }
0x96: {  	s18 =	sadd.s32 $0x1, s18  }
0x97: {  	p0 =	sne.s32 s18, $0x10  }
.Ltmp1:
0x98: {  	v4 =	vmul.f32 v6, v4;
	v3 =	vmul.f32 v5, v3;
	(pc) =	sbr.rel @p0 .LBB2_2-.Ltmp1, $3  }
0x99: {  	_ = 	snop  }
0x9a: {  	v3 =	vadd.f32 v4, v3;
	_ =	sdelay $0x1  }
0x9b: {  	[tilespmem:s6+$0x4100] =	vst v3  }
0x9c: {  	s18 =	simm.s32 $0x0  }
0x9d: {  	[hbm4b:s11+s18] =	stream.linear.scatter [tilespmem:s20], [sflag:$0x3], $0x4000, $0x38;
	[tilespmem:$0x14100] =	vst v63  }
0x9e: {  	_ =	swait.ge [sflag:s31], $0x4000  }
0x9f: {  	[sflag:s31] =	ssyncset.done $0x0  }
0xa0: {  	[sflag:s31] =	ssyncadd.s32 $0xFFFFC000  }
0xa1: {  	v3 =	vld [tilespmem:$0x20];
	_ =	sdelay $0x4  }
0xa2: {  	v4 =	vshll.u32 v3, $0x3  }
0xa3: {  	v3 =	vand.u32 $0x7, v3;
	v4 =	vand.u32 $0xFFFFFFC0, v4  }
0xa4: {  	v3 =	vor.u32 v3, v4  }
0xa5: {  	v4 =	vperm.xlane v3, v0;
	_ =	sdelay $0x1  }
0xa6: {  	v4 =	vadd.s32 v1, v4;
	_ =	sdelay $0x4  }
0xa7: {  	[tilespmem:s20], [sflag:$0x1] =	stream.indirect_vreg.gather [hbm4b:s3+s18], $0x80, v4, vm0, $0xb8;
	[tilespmem:$0x14100] =	vst v63  }
0xa8: {  	s5 =	simm.s32 $0x4900;
	v3 =	vperm.xlane v3, v2  }
0xa9: {  	[tilespmem:s5], [sflag:$0x1] =	stream.indirect_vreg.gather [hbm4b:s8+s18], $0x80, v4, vm0, $0xb8;
	[tilespmem:$0x14100] =	vst v63  }
0xaa: {  	s19 =	simm.s32 $0x5100;
	v3 =	vadd.s32 v1, v3  }
0xab: {  	[tilespmem:s19], [sflag:$0x1] =	stream.indirect_vreg.gather [hbm4b:s9+s18], $0x80, v4, vm0, $0xb8;
	[tilespmem:$0x14100] =	vst v63  }
0xac: {  	s21 =	simm.s32 $0x5900  }
0xad: {  	[tilespmem:s21], [sflag:$0x1] =	stream.indirect_vreg.gather [hbm4b:s10+s18], $0x80, v4, vm0, $0xb8;
	[tilespmem:$0x14100] =	vst v63  }
0xae: {  	s6 =	simm.s32 $0x6100  }
0xaf: {  	[tilespmem:s6], [sflag:$0x1] =	stream.indirect_vreg.gather [hbm4b:s3+s18], $0x80, v3, vm0, $0xb8;
	[tilespmem:$0x14100] =	vst v63  }
0xb0: {  	s7 =	simm.s32 $0x6900  }
0xb1: {  	[tilespmem:s7], [sflag:$0x1] =	stream.indirect_vreg.gather [hbm4b:s8+s18], $0x80, v3, vm0, $0xb8;
	[tilespmem:$0x14100] =	vst v63  }
0xb2: {  	s12 =	simm.s32 $0x7100  }
0xb3: {  	[tilespmem:s12], [sflag:$0x1] =	stream.indirect_vreg.gather [hbm4b:s9+s18], $0x80, v3, vm0, $0xb8;
	[tilespmem:$0x14100] =	vst v63  }
0xb4: {  	s13 =	simm.s32 $0x7900  }
0xb5: {  	[tilespmem:s13], [sflag:$0x1] =	stream.indirect_vreg.gather [hbm4b:s10+s18], $0x80, v3, vm0, $0xb8;
	[tilespmem:$0x14100] =	vst v63  }
0xb6: {  	v3 =	vld [tilespmem:$0xA0];
	_ =	sdelay $0x4  }
0xb7: {  	v63 =	vshll.u32 v3, $0x3  }
0xb8: {  	v3 =	vand.u32 $0x7, v3;
	v4 =	vand.u32 $0xFFFFFFC0, v63  }
0xb9: {  	v3 =	vor.u32 v3, v4  }
0xba: {  	v4 =	vperm.xlane v3, v0;
	_ =	sdelay $0x1  }
0xbb: {  	v4 =	vadd.s32 v1, v4;
	_ =	sdelay $0x3  }
0xbc: {  	s19 =	simm.s32 $0xC100  }
0xbd: {  	[tilespmem:s19], [sflag:$0x1] =	stream.indirect_vreg.gather [hbm4b:s3+s18], $0x80, v4, vm0, $0xb8;
	[tilespmem:$0x14100] =	vst v63  }
0xbe: {  	s21 =	simm.s32 $0xC900;
	v3 =	vperm.xlane v3, v2  }
0xbf: {  	[tilespmem:s21], [sflag:$0x1] =	stream.indirect_vreg.gather [hbm4b:s8+s18], $0x80, v4, vm0, $0xb8;
	[tilespmem:$0x14100] =	vst v63  }
0xc0: {  	s6 =	simm.s32 $0xD100;
	v3 =	vadd.s32 v1, v3  }
0xc1: {  	[tilespmem:s6], [sflag:$0x1] =	stream.indirect_vreg.gather [hbm4b:s9+s18], $0x80, v4, vm0, $0xb8;
	[tilespmem:$0x14100] =	vst v63  }
0xc2: {  	s7 =	simm.s32 $0xD900  }
0xc3: {  	[tilespmem:s7], [sflag:$0x1] =	stream.indirect_vreg.gather [hbm4b:s10+s18], $0x80, v4, vm0, $0xb8;
	[tilespmem:$0x14100] =	vst v63  }
0xc4: {  	s12 =	simm.s32 $0xE100  }
0xc5: {  	[tilespmem:s12], [sflag:$0x1] =	stream.indirect_vreg.gather [hbm4b:s3+s18], $0x80, v3, vm0, $0xb8;
	[tilespmem:$0x14100] =	vst v63  }
0xc6: {  	s13 =	simm.s32 $0xE900  }
0xc7: {  	[tilespmem:s13], [sflag:$0x1] =	stream.indirect_vreg.gather [hbm4b:s8+s18], $0x80, v3, vm0, $0xb8;
	[tilespmem:$0x14100] =	vst v63  }
0xc8: {  	s19 =	simm.s32 $0xF100  }
0xc9: {  	[tilespmem:s19], [sflag:$0x1] =	stream.indirect_vreg.gather [hbm4b:s9+s18], $0x80, v3, vm0, $0xb8;
	[tilespmem:$0x14100] =	vst v63  }
0xca: {  	s21 =	simm.s32 $0xF900  }
0xcb: {  	[tilespmem:s21], [sflag:$0x1] =	stream.indirect_vreg.gather [hbm4b:s10+s18], $0x80, v3, vm0, $0xb8;
	[tilespmem:$0x14100] =	vst v63  }
0xcc: {  	_ =	swait.ge [sflag:s0], $0x4000  }
0xcd: {  	[sflag:s0] =	ssyncset.done $0x0  }
0xce: {  	[sflag:s0] =	ssyncadd.s32 $0xFFFFC000  }
0xcf: {  	_ =	swait.ge [sflag:s0], $0x4000  }
0xd0: {  	[sflag:s0] =	ssyncset.done $0x0  }
0xd1: {  	s19 =	simm.s32 $0x0;
	[sflag:s0] =	ssyncadd.s32 $0xFFFFC000  }
.LBB2_6:
0xd2: {  	s6 =	sshll.u32 s19, $0x7;
	s5 =	sshll.u32 s19, $0xA  }
0xd3: {  	s5 =	sand.u32 $0x2000, s5;
	s7 =	sand.u32 $0x380, s6  }
0xd4: {  	s13 =	sand.u32 $0x1C00, s18;
	s5 =	sor.u32 s7, s5  }
0xd5: {  	s12 =	sand.u32 $0x70, s18;
	v3 =	vld [tilespmem:s6+$0x900];
	s7 =	sor.u32 s13, s5  }
0xd6: {  	v4 =	vld [tilespmem:s6+$0x2900];
	s6 =	sor.u32 s12, s7  }
0xd7: {  	v5 =	vld [tilespmem:s6+$0x10100]  }
0xd8: {  	v6 =	vld [tilespmem:s6+$0x8100];
	_ =	sdelay $0x4  }
0xd9: {  	s7 =	simm.s32 $0x80;
	v6 =	vmul.f32 v6, v3;
	v5 =	vmul.f32 v5, v4  }
0xda: {  	s21 =	simm.s32 $0x10;
	s13 =	sand.u32 $0x1C00, s7  }
0xdb: {  	s21 =	sand.u32 $0x70, s21;
	s12 =	simm.s32 $0x20;
	s13 =	sor.u32 s13, s5;
	v5 =	vadd.f32 v5, v6  }
.LBB2_7:
0xdc: {  	p0 =	sne.s32 s12, $0x3F0;
	s13 =	sor.u32 s21, s13  }
0xdd: {  	v6 =	vld [tilespmem:s13+$0x10100];
	[tilespmem:s6+$0x8100] =	vst v5;
	s6 =	smov.u32 s13  }
0xde: {  	v5 =	vld [tilespmem:s6+$0x8100];
	_ =	sdelay $0x2  }
.Ltmp2:
0xdf: {  	(pc) =	sbr.rel @p0 .LBB2_7-.Ltmp2, $4  }
0xe0: {  	_ = 	snop  }
0xe1: {  	s7 =	sadd.s32 $0x80, s7;
	v6 =	vmul.f32 v6, v4;
	v5 =	vmul.f32 v5, v3  }
0xe2: {  	s13 =	sand.u32 $0x1C00, s7  }
0xe3: {  	s21 =	sand.u32 $0x70, s12;
	s12 =	sadd.s32 $0x10, s12;
	s13 =	sor.u32 s13, s5;
	v5 =	vadd.f32 v6, v5  }
0xe4: {  	s5 =	sor.u32 s21, s13  }
0xe5: {  	v6 =	vld [tilespmem:s5+$0x10100];
	[tilespmem:s6+$0x8100] =	vst v5  }
0xe6: {  	v5 =	vld [tilespmem:s5+$0x8100];
	_ =	sdelay $0x2  }
0xe7: {  	s19 =	sadd.s32 $0x1, s19  }
0xe8: {  	p0 =	sne.s32 s19, $0x10  }
.Ltmp3:
0xe9: {  	v4 =	vmul.f32 v6, v4;
	v3 =	vmul.f32 v5, v3;
	(pc) =	sbr.rel @p0 .LBB2_6-.Ltmp3, $3  }
0xea: {  	_ = 	snop  }
0xeb: {  	v3 =	vadd.f32 v4, v3;
	_ =	sdelay $0x1  }
0xec: {  	[tilespmem:s5+$0x8100] =	vst v3  }
0xed: {  	s18 =	simm.s32 $0x0;
	s5 =	rddreg [dreg:$0x7]  }
0xee: {  	[hbm4b:s5+s18] =	stream.linear.scatter [tilespmem:s4], [sflag:$0x4], $0x4000, $0x38;
	[tilespmem:$0x14100] =	vst v63  }
0xef: {  	_ =	swait.ge [sflag:s1], $0x4000  }
0xf0: {  	[sflag:s1] =	ssyncset.done $0x0  }
0xf1: {  	[sflag:s1] =	ssyncadd.s32 $0xFFFFC000  }
0xf2: {  	v3 =	vld [tilespmem:$0x30];
	_ =	sdelay $0x4  }
0xf3: {  	v4 =	vshll.u32 v3, $0x3  }
0xf4: {  	v3 =	vand.u32 $0x7, v3;
	v4 =	vand.u32 $0xFFFFFFC0, v4  }
0xf5: {  	v3 =	vor.u32 v3, v4  }
0xf6: {  	v4 =	vperm.xlane v3, v0;
	_ =	sdelay $0x1  }
0xf7: {  	v4 =	vadd.s32 v1, v4;
	_ =	sdelay $0x4  }
0xf8: {  	[tilespmem:s4], [sflag:$0x2] =	stream.indirect_vreg.gather [hbm4b:s3+s18], $0x80, v4, vm0, $0xb8;
	[tilespmem:$0x14100] =	vst v63  }
0xf9: {  	s6 =	simm.s32 $0x8900;
	v3 =	vperm.xlane v3, v2  }
0xfa: {  	[tilespmem:s6], [sflag:$0x2] =	stream.indirect_vreg.gather [hbm4b:s8+s18], $0x80, v4, vm0, $0xb8;
	[tilespmem:$0x14100] =	vst v63  }
0xfb: {  	s7 =	simm.s32 $0x9100;
	v3 =	vadd.s32 v1, v3  }
0xfc: {  	[tilespmem:s7], [sflag:$0x2] =	stream.indirect_vreg.gather [hbm4b:s9+s18], $0x80, v4, vm0, $0xb8;
	[tilespmem:$0x14100] =	vst v63  }
0xfd: {  	s12 =	simm.s32 $0x9900  }
0xfe: {  	[tilespmem:s12], [sflag:$0x2] =	stream.indirect_vreg.gather [hbm4b:s10+s18], $0x80, v4, vm0, $0xb8;
	[tilespmem:$0x14100] =	vst v63  }
0xff: {  	s13 =	simm.s32 $0xA100  }
0x100: {  	[tilespmem:s13], [sflag:$0x2] =	stream.indirect_vreg.gather [hbm4b:s3+s18], $0x80, v3, vm0, $0xb8;
	[tilespmem:$0x14100] =	vst v63  }
0x101: {  	s19 =	simm.s32 $0xA900  }
0x102: {  	[tilespmem:s19], [sflag:$0x2] =	stream.indirect_vreg.gather [hbm4b:s8+s18], $0x80, v3, vm0, $0xb8;
	[tilespmem:$0x14100] =	vst v63  }
0x103: {  	s21 =	simm.s32 $0xB100  }
0x104: {  	[tilespmem:s21], [sflag:$0x2] =	stream.indirect_vreg.gather [hbm4b:s9+s18], $0x80, v3, vm0, $0xb8;
	[tilespmem:$0x14100] =	vst v63  }
0x105: {  	_ = 	snop  }
0x106: {  	[tilespmem:s22], [sflag:$0x2] =	stream.indirect_vreg.gather [hbm4b:s10+s18], $0x80, v3, vm0, $0xb8;
	[tilespmem:$0x14100] =	vst v63  }
0x107: {  	v3 =	vld [tilespmem:$0xB0];
	_ =	sdelay $0x4  }
0x108: {  	v63 =	vshll.u32 v3, $0x3  }
0x109: {  	v3 =	vand.u32 $0x7, v3;
	v4 =	vand.u32 $0xFFFFFFC0, v63  }
0x10a: {  	v3 =	vor.u32 v3, v4  }
0x10b: {  	v4 =	vperm.xlane v3, v0;
	_ =	sdelay $0x1  }
0x10c: {  	v4 =	vadd.s32 v1, v4;
	_ =	sdelay $0x4  }
0x10d: {  	[tilespmem:s14], [sflag:$0x2] =	stream.indirect_vreg.gather [hbm4b:s3+s18], $0x80, v4, vm0, $0xb8;
	[tilespmem:$0x14100] =	vst v63  }
0x10e: {  	v3 =	vperm.xlane v3, v2  }
0x10f: {  	[tilespmem:s23], [sflag:$0x2] =	stream.indirect_vreg.gather [hbm4b:s8+s18], $0x80, v4, vm0, $0xb8;
	[tilespmem:$0x14100] =	vst v63  }
0x110: {  	v3 =	vadd.s32 v1, v3  }
0x111: {  	[tilespmem:s15], [sflag:$0x2] =	stream.indirect_vreg.gather [hbm4b:s9+s18], $0x80, v4, vm0, $0xb8;
	[tilespmem:$0x14100] =	vst v63  }
0x112: {  	_ = 	snop  }
0x113: {  	[tilespmem:s24], [sflag:$0x2] =	stream.indirect_vreg.gather [hbm4b:s10+s18], $0x80, v4, vm0, $0xb8;
	[tilespmem:$0x14100] =	vst v63  }
0x114: {  	_ = 	snop  }
0x115: {  	[tilespmem:s25], [sflag:$0x2] =	stream.indirect_vreg.gather [hbm4b:s3+s18], $0x80, v3, vm0, $0xb8;
	[tilespmem:$0x14100] =	vst v63  }
0x116: {  	_ = 	snop  }
0x117: {  	[tilespmem:s26], [sflag:$0x2] =	stream.indirect_vreg.gather [hbm4b:s8+s18], $0x80, v3, vm0, $0xb8;
	[tilespmem:$0x14100] =	vst v63  }
0x118: {  	_ = 	snop  }
0x119: {  	[tilespmem:s28], [sflag:$0x2] =	stream.indirect_vreg.gather [hbm4b:s9+s18], $0x80, v3, vm0, $0xb8;
	[tilespmem:$0x14100] =	vst v63  }
0x11a: {  	_ = 	snop  }
0x11b: {  	[tilespmem:s29], [sflag:$0x2] =	stream.indirect_vreg.gather [hbm4b:s10+s18], $0x80, v3, vm0, $0xb8;
	[tilespmem:$0x14100] =	vst v63  }
0x11c: {  	_ =	swait.ge [sflag:s30], $0x4000  }
0x11d: {  	[sflag:s30] =	ssyncset.done $0x0  }
0x11e: {  	[sflag:s30] =	ssyncadd.s32 $0xFFFFC000  }
0x11f: {  	_ =	swait.ge [sflag:s30], $0x4000  }
0x120: {  	[sflag:s30] =	ssyncset.done $0x0  }
0x121: {  	s19 =	simm.s32 $0x0;
	[sflag:s30] =	ssyncadd.s32 $0xFFFFC000  }
.LBB2_10:
0x122: {  	s6 =	sshll.u32 s19, $0x7;
	s5 =	sshll.u32 s19, $0xA  }
0x123: {  	s5 =	sand.u32 $0x2000, s5;
	s7 =	sand.u32 $0x380, s6  }
0x124: {  	s13 =	sand.u32 $0x1C00, s18;
	s5 =	sor.u32 s5, s7  }
0x125: {  	s12 =	sand.u32 $0x70, s18;
	v3 =	vld [tilespmem:s6+$0x1100];
	s7 =	sor.u32 s13, s5  }
0x126: {  	v4 =	vld [tilespmem:s6+$0x3100];
	s6 =	sor.u32 s12, s7  }
0x127: {  	v5 =	vld [tilespmem:s6+$0xC100]  }
0x128: {  	v6 =	vld [tilespmem:s6+$0x4100];
	_ =	sdelay $0x4  }
0x129: {  	s7 =	simm.s32 $0x80;
	v6 =	vmul.f32 v6, v3;
	v5 =	vmul.f32 v5, v4  }
0x12a: {  	s21 =	simm.s32 $0x10;
	s13 =	sand.u32 $0x1C00, s7  }
0x12b: {  	s21 =	sand.u32 $0x70, s21;
	s12 =	simm.s32 $0x20;
	s13 =	sor.u32 s13, s5;
	v5 =	vadd.f32 v5, v6  }
.LBB2_11:
0x12c: {  	p0 =	sne.s32 s12, $0x3F0;
	s13 =	sor.u32 s21, s13  }
0x12d: {  	v6 =	vld [tilespmem:s13+$0xC100];
	[tilespmem:s6+$0x4100] =	vst v5;
	s6 =	smov.u32 s13  }
0x12e: {  	v5 =	vld [tilespmem:s6+$0x4100];
	_ =	sdelay $0x2  }
.Ltmp4:
0x12f: {  	(pc) =	sbr.rel @p0 .LBB2_11-.Ltmp4, $4  }
0x130: {  	_ = 	snop  }
0x131: {  	s7 =	sadd.s32 $0x80, s7;
	v6 =	vmul.f32 v6, v4;
	v5 =	vmul.f32 v5, v3  }
0x132: {  	s13 =	sand.u32 $0x1C00, s7  }
0x133: {  	s21 =	sand.u32 $0x70, s12;
	s12 =	sadd.s32 $0x10, s12;
	s13 =	sor.u32 s13, s5;
	v5 =	vadd.f32 v6, v5  }
0x134: {  	s5 =	sor.u32 s21, s13  }
0x135: {  	v6 =	vld [tilespmem:s5+$0xC100];
	[tilespmem:s6+$0x4100] =	vst v5  }
0x136: {  	v5 =	vld [tilespmem:s5+$0x4100];
	_ =	sdelay $0x2  }
0x137: {  	s19 =	sadd.s32 $0x1, s19  }
0x138: {  	p0 =	sne.s32 s19, $0x10  }
.Ltmp5:
0x139: {  	v4 =	vmul.f32 v6, v4;
	v3 =	vmul.f32 v5, v3;
	(pc) =	sbr.rel @p0 .LBB2_10-.Ltmp5, $3  }
0x13a: {  	_ = 	snop  }
0x13b: {  	v3 =	vadd.f32 v4, v3;
	_ =	sdelay $0x1  }
0x13c: {  	[tilespmem:s5+$0x4100] =	vst v3  }
0x13d: {  	s18 =	simm.s32 $0x0;
	s5 =	rddreg [dreg:$0x8]  }
0x13e: {  	[hbm4b:s5+s18] =	stream.linear.scatter [tilespmem:s20], [sflag:$0x3], $0x4000, $0x38;
	[tilespmem:$0x14100] =	vst v63  }
0x13f: {  	_ =	swait.ge [sflag:s0], $0x4000  }
0x140: {  	[sflag:s0] =	ssyncset.done $0x0  }
0x141: {  	[sflag:s0] =	ssyncadd.s32 $0xFFFFC000  }
0x142: {  	_ =	swait.ge [sflag:s0], $0x4000  }
0x143: {  	[sflag:s0] =	ssyncset.done $0x0  }
0x144: {  	s19 =	simm.s32 $0x0;
	[sflag:s0] =	ssyncadd.s32 $0xFFFFC000  }
.LBB2_14:
0x145: {  	s6 =	sshll.u32 s19, $0x7;
	s5 =	sshll.u32 s19, $0xA  }
0x146: {  	s5 =	sand.u32 $0x2000, s5;
	s7 =	sand.u32 $0x380, s6  }
0x147: {  	s13 =	sand.u32 $0x1C00, s18;
	s5 =	sor.u32 s7, s5  }
0x148: {  	s12 =	sand.u32 $0x70, s18;
	v3 =	vld [tilespmem:s6+$0x1900];
	s7 =	sor.u32 s13, s5  }
0x149: {  	v4 =	vld [tilespmem:s6+$0x3900];
	s6 =	sor.u32 s12, s7  }
0x14a: {  	v5 =	vld [tilespmem:s6+$0x10100]  }
0x14b: {  	v6 =	vld [tilespmem:s6+$0x8100];
	_ =	sdelay $0x4  }
0x14c: {  	s7 =	simm.s32 $0x80;
	v6 =	vmul.f32 v6, v3;
	v5 =	vmul.f32 v5, v4  }
0x14d: {  	s21 =	simm.s32 $0x10;
	s13 =	sand.u32 $0x1C00, s7  }
0x14e: {  	s21 =	sand.u32 $0x70, s21;
	s12 =	simm.s32 $0x20;
	s13 =	sor.u32 s13, s5;
	v5 =	vadd.f32 v5, v6  }
.LBB2_15:
0x14f: {  	p0 =	sne.s32 s12, $0x3F0;
	s13 =	sor.u32 s21, s13  }
0x150: {  	v6 =	vld [tilespmem:s13+$0x10100];
	[tilespmem:s6+$0x8100] =	vst v5;
	s6 =	smov.u32 s13  }
0x151: {  	v5 =	vld [tilespmem:s6+$0x8100];
	_ =	sdelay $0x2  }
.Ltmp6:
0x152: {  	(pc) =	sbr.rel @p0 .LBB2_15-.Ltmp6, $4  }
0x153: {  	_ = 	snop  }
0x154: {  	s7 =	sadd.s32 $0x80, s7;
	v6 =	vmul.f32 v6, v4;
	v5 =	vmul.f32 v5, v3  }
0x155: {  	s13 =	sand.u32 $0x1C00, s7  }
0x156: {  	s21 =	sand.u32 $0x70, s12;
	s12 =	sadd.s32 $0x10, s12;
	s13 =	sor.u32 s13, s5;
	v5 =	vadd.f32 v6, v5  }
0x157: {  	s5 =	sor.u32 s21, s13  }
0x158: {  	v6 =	vld [tilespmem:s5+$0x10100];
	[tilespmem:s6+$0x8100] =	vst v5  }
0x159: {  	v5 =	vld [tilespmem:s5+$0x8100];
	_ =	sdelay $0x2  }
0x15a: {  	s19 =	sadd.s32 $0x1, s19  }
0x15b: {  	p0 =	sne.s32 s19, $0x10  }
.Ltmp7:
0x15c: {  	v4 =	vmul.f32 v6, v4;
	v3 =	vmul.f32 v5, v3;
	(pc) =	sbr.rel @p0 .LBB2_14-.Ltmp7, $3  }
0x15d: {  	_ = 	snop  }
0x15e: {  	v3 =	vadd.f32 v4, v3;
	_ =	sdelay $0x1  }
0x15f: {  	[tilespmem:s5+$0x8100] =	vst v3  }
0x160: {  	s5 =	rddreg [dreg:$0x9]  }
0x161: {  	[hbm4b:s5+s2] =	stream.linear.scatter [tilespmem:s4], [sflag:$0x4], $0x4000, $0x38;
	[tilespmem:$0x14100] =	vst v63  }
0x162: {  	_ =	swait.ge [sflag:s31], $0x4000  }
0x163: {  	[sflag:s31] =	ssyncset.done $0x0  }
0x164: {  	[sflag:s31] =	ssyncadd.s32 $0xFFFFC000  }
0x165: {  	_ =	swait.ge [sflag:s1], $0x4000  }
0x166: {  	s17 =	sadd.s32 $0x1, s17;
	s21 =	rddreg [dreg:$0xa]  }
0x167: {  	p0 =	sne.s32 s17, s21  }
.Ltmp8:
0x168: {  	_ = 	snop;
	(pc) =	sbr.rel @p0 .LBB2_1-.Ltmp8, $3  }
0x169: {  	_ =	sdelay $0x1  }
0x16a: {  	[sflag:s1] =	ssyncset.done $0x0  }
0x16b: {  	[sflag:s1] =	ssyncadd.s32 $0xFFFFC000  }
0x16c: {  	_ =	sfence.sel $0x180000  }
0x16d: {  	[bflag:$0x0] =	sbarrier.arrive $0xFFFF  }
0x16e: {  	_ =	strace $0x9000004A  }
0x16f: {  	s0 =	stileid.u32;
	[bflag:$0x2] =	sbarrier.arrive $0xFFFF  }
0x170: {  	p0 =	sne.s32 s0, $0x0;
	s0 =	rddreg [dreg:$0x2]  }
0x171: {  	s0 =	sadd.s32 @!p0 $0x100000, s0  }
0x172: {  	[sflag:s0] =	ssyncadd.tile.s32 @!p0 $0x1;
	_ =	shalt  }
.Lfunc_end2:
_tile_overlayer_lowered:
.L_overlay_start_2:
0x173: {  	(tag) =	ssettag $0x2  }
0x174: {  	s0 =	rddreg [dreg:$0x0];
	s2 =	stileid.u32  }
0x175: {  	s1 =	rddreg [dreg:$0x1];
	p0 =	sne.s32 s2, $0x0  }
0x176: {  	s3 =	rddreg [dreg:$0x2];
	[bflag:$0x3] =	sbarrier.arrive $0xFFFF;
	s2 =	simm.s32 @!p0 $0x1C05  }
0x177: {  	[timem:s3], [sflag:s2] =	dma.local @!p0 [hbm:s0], s1  }
0x178: {  	s0 =	simm.s32 @!p0 $0x5  }
0x179: {  	_ =	swait.ge @!p0 [sflag:s0], s1  }
0x17a: {  	s1 =	ssub.s32 @!p0 $0x0, s1;
	[sflag:s0] =	ssyncset.done @!p0 $0x0  }
0x17b: {  	[sflag:s0] =	ssyncadd.s32 @!p0 s1  }
0x17c: {  	[bflag:$0x3] =	sbarrier.arrive $0xFFFF  }
0x17d: {  	_ =	shalt  }

</sc_bundles>
